<compile_context>
chip_gen: v7x
topology: tpu7x:2x2x1
jax: 0.10.2.dev20260603
libtpu: 0.0.44.dev20260713+nightly
codegen_flags: <defaults>
</compile_context>

<pallas_src>
import functools

import jax
import jax.numpy as jnp
from jax import lax
from jax.experimental import pallas as pl
from jax.experimental.pallas import tpu as pltpu
from jax.experimental.pallas import tpu_sc as plsc

N_FIELDS = 26
D = 64
VOCAB = 100000
LANES = 16


@functools.lru_cache(maxsize=None)
def _build(batch: int):
    info = plsc.get_sparse_core_info()
    nc, ns = info.num_cores, info.num_subcores
    nw = nc * ns
    units = N_FIELDS * D
    per_w = units // nw
    assert per_w * nw == units
    n_vec = batch // LANES
    assert n_vec * LANES == batch

    mesh = plsc.VectorSubcoreMesh(core_axis_name="c", subcore_axis_name="s")

    @functools.partial(
        pl.kernel,
        mesh=mesh,
        compiler_params=pltpu.CompilerParams(needs_layout_passes=False),
        out_type=jax.ShapeDtypeStruct((N_FIELDS, D, batch), jnp.float32),
        scratch_types=[
            pltpu.VMEM((VOCAB,), jnp.float32),
            pltpu.VMEM((batch,), jnp.int32),
            pltpu.VMEM((batch,), jnp.float32),
            pltpu.VMEM((batch,), jnp.float32),
            pltpu.VMEM((D, LANES), jnp.float32),
            pltpu.SemaphoreType.DMA,
            pltpu.SemaphoreType.DMA,
            pltpu.SemaphoreType.DMA,
            pltpu.SemaphoreType.DMA,
            pltpu.SemaphoreType.DMA,
        ],
    )
    def lookup_kernel(tab_t, x_t, bias_s, out_t,
                      row_v, xcol_v, orow_v0, orow_v1, bias_v,
                      sem, g0, g1, s0, s1):
        wid = lax.axis_index("s") * nc + lax.axis_index("c")
        u0 = wid * per_w
        orows = (orow_v0, orow_v1)
        ssem = (s0, s1)

        f0 = u0 // D
        pltpu.async_copy(x_t.at[f0], xcol_v, sem).wait()
        pltpu.async_copy(bias_s.at[f0], bias_v, sem).wait()
        pltpu.async_copy(tab_t.at[u0 // D, u0 % D], row_v, g0)

        def unit(i, _):
            for b in range(2):
                u = u0 + i + b
                f = u // D
                d = u % D
                @pl.when(jnp.logical_and(i + b > 0, d == 0))
                def _():
                    pltpu.async_copy(x_t.at[f], xcol_v, sem).wait()
                    pltpu.async_copy(bias_s.at[f], bias_v, sem).wait()

                bvec = bias_v[d]
                pltpu.make_async_copy(tab_t.at[f, d], row_v, g0).wait()

                @pl.when(i + b >= 2)
                def _():
                    pltpu.make_async_copy(orows[b], out_t.at[f, d],
                                          ssem[b]).wait()

                @plsc.parallel_loop(0, n_vec, unroll=16)
                def _gather16(k):
                    iv = xcol_v[pl.ds(k * LANES, LANES)]
                    vals = plsc.load_gather(row_v, [iv])
                    orows[b][pl.ds(k * LANES, LANES)] = vals + bvec

                pltpu.async_copy(orows[b], out_t.at[f, d], ssem[b])

                @pl.when(i + b + 1 < per_w)
                def _():
                    un = u + 1
                    pltpu.async_copy(tab_t.at[un // D, un % D], row_v, g0)
            return ()

        lax.fori_loop(0, per_w // 2, lambda i, c: unit(i * 2, c), ())
        for b in range(2):
            ul = u0 + per_w - 2 + b
            pltpu.make_async_copy(orows[b], out_t.at[ul // D, ul % D],
                                  ssem[b]).wait()

    return lookup_kernel, nw


def kernel(x, tables, bias):
    batch = x.shape[0]
    lookup_kernel, _ = _build(batch)
    tab_t = jnp.swapaxes(tables, 1, 2)
    x_t = jnp.swapaxes(x, 0, 1).astype(jnp.int32)
    bias_s = jnp.broadcast_to(bias[:, :, None], (N_FIELDS, D, LANES))
    out_t = lookup_kernel(tab_t, x_t, bias_s)
    return jnp.transpose(out_t, (2, 0, 1))

# --- scband reference (transcript-rebuilt; emitter-appended) ---
"""Pipeline reference for scband-categorical-embeddings-88794153878179 (READ-ONLY COPY).

The authoritative reference and input builder live on the scoring server;
editing this copy changes nothing except your own understanding.
"""

import jax, jax.numpy as jnp
import numpy as np

N_FIELDS = 26
VOCAB = 100000
D = 64
BATCH = 4096


def setup_inputs(seed: int = 0) -> dict:
    key = jax.random.key(seed)
    k1, k2, k3 = jax.random.split(key, 3)
    d_rsqrt = D ** (-0.5)
    # one embedding table per categorical field, stacked: [n_fields, vocab, d]
    tables = jax.random.uniform(k1, (N_FIELDS, VOCAB, D), minval=-d_rsqrt, maxval=d_rsqrt, dtype=jnp.float32)
    bias = jax.random.uniform(k2, (N_FIELDS, D), minval=-d_rsqrt, maxval=d_rsqrt, dtype=jnp.float32)
    x = jax.random.randint(k3, (BATCH, N_FIELDS), 0, VOCAB, dtype=jnp.int32)
    return {"x": x, "tables": tables, "bias": bias}


def reference(x, tables, bias):
    # per-field embedding lookup, stacked along dim -2: [B, n_fields, d]
    embeddings = jnp.stack([jnp.take(tables[i], x[:, i], axis=0) for i in range(N_FIELDS)], axis=-2)
    embeddings = embeddings + bias
    return embeddings

if __name__ == "__main__":
    import jax
    _d = setup_inputs()
    print(jax.jit(kernel)(*tuple(_d.values())))

</pallas_src>

<mosaic_0001>
#map = affine_map<(d0, d1) -> (0, 0, 0)>
#map1 = affine_map<(d0, d1) -> (0, 0)>
module attributes {stable_mosaic.version = 14 : i64} {
  func.func @lookup_kernel(%arg0: i32, %arg1: i32, %arg2: memref<26x64x100000xf32, #tpu.memory_space<hbm>>, %arg3: memref<26x4096xi32, #tpu.memory_space<hbm>>, %arg4: memref<26x64x16xf32, #tpu.memory_space<hbm>>, %arg5: memref<26x64x4096xf32, #tpu.memory_space<hbm>>, %arg6: memref<100000xf32, #tpu.memory_space<vmem>>, %arg7: memref<4096xi32, #tpu.memory_space<vmem>>, %arg8: memref<4096xf32, #tpu.memory_space<vmem>>, %arg9: memref<4096xf32, #tpu.memory_space<vmem>>, %arg10: memref<64x16xf32, #tpu.memory_space<vmem>>, %arg11: memref<!tpu.dma_semaphore, #tpu.memory_space<semaphore_mem>>, %arg12: memref<!tpu.dma_semaphore, #tpu.memory_space<semaphore_mem>>, %arg13: memref<!tpu.dma_semaphore, #tpu.memory_space<semaphore_mem>>, %arg14: memref<!tpu.dma_semaphore, #tpu.memory_space<semaphore_mem>>, %arg15: memref<!tpu.dma_semaphore, #tpu.memory_space<semaphore_mem>>) attributes {dimension_semantics = [#tpu.dimension_semantics<core_parallel>, #tpu.dimension_semantics<subcore_parallel>], iteration_bounds = array<i64: 2, 16>, scalar_prefetch = 0 : i64, scratch_operands = 10 : i64, tpu.core_type = #tpu.core_type<sc_vector_subcore>, window_params = [{transform_indices = #map}, {transform_indices = #map1}, {transform_indices = #map}, {transform_indices = #map}]} {
    %mul3A = arith.constant 2 : i32
    %mul3A_0 = arith.muli %arg1, %mul3A : i32
    %add3A = arith.addi %mul3A_0, %arg0 : i32
    %mul3A_1 = arith.constant 52 : i32
    %mul3A_2 = arith.muli %add3A, %mul3A_1 : i32
    %jit3A = arith.constant 64 : i32
    %div3A = arith.divsi %mul3A_2, %jit3A : i32
    %sign3A = arith.constant 0 : i32
    %sign3A_3 = arith.cmpi sgt, %mul3A_2, %sign3A : i32
    %sign3A_4 = arith.extui %sign3A_3 : i1 to i32
    %sign3A_5 = arith.constant 0 : i32
    %sign3A_6 = arith.cmpi slt, %mul3A_2, %sign3A_5 : i32
    %sign3A_7 = arith.extui %sign3A_6 : i1 to i32
    %sign3A_8 = arith.subi %sign3A_4, %sign3A_7 : i32
    %sign3A_9 = arith.constant 0 : i32
    %sign3A_10 = arith.cmpi sgt, %jit3A, %sign3A_9 : i32
    %sign3A_11 = arith.extui %sign3A_10 : i1 to i32
    %sign3A_12 = arith.constant 0 : i32
    %sign3A_13 = arith.cmpi slt, %jit3A, %sign3A_12 : i32
    %sign3A_14 = arith.extui %sign3A_13 : i1 to i32
    %sign3A_15 = arith.subi %sign3A_11, %sign3A_14 : i32
    %ne3A = arith.cmpi ne, %sign3A_8, %sign3A_15 : i32
    %rem3A = arith.remsi %mul3A_2, %jit3A : i32
    %ne3A_16 = arith.constant 0 : i32
    %ne3A_17 = arith.cmpi ne, %rem3A, %ne3A_16 : i32
    %and3A = arith.andi %ne3A, %ne3A_17 : i1
    %sub3A = arith.constant 1 : i32
    %sub3A_18 = arith.subi %div3A, %sub3A : i32
    %select_n3A = arith.select %and3A, %sub3A_18, %div3A : i32
    %dma_start3A = arith.constant 0 : i32
    %dma_start3A_19 = tpu.memref_slice %arg3[%select_n3A, %dma_start3A] : memref<26x4096xi32, #tpu.memory_space<hbm>> -> memref<1x4096xi32, #tpu.memory_space<hbm>>
    %dma_start3A_20 = tpu.memref_squeeze %dma_start3A_19 : memref<1x4096xi32, #tpu.memory_space<hbm>> -> memref<4096xi32, #tpu.memory_space<hbm>>
    %dma_start3A_21 = arith.constant 0 : i32
    %dma_start3A_22 = tpu.memref_slice %arg3[%select_n3A, %dma_start3A_21] : memref<26x4096xi32, #tpu.memory_space<hbm>> -> memref<1x4096xi32, #tpu.memory_space<hbm>>
    %dma_start3A_23 = tpu.memref_squeeze %dma_start3A_22 : memref<1x4096xi32, #tpu.memory_space<hbm>> -> memref<4096xi32, #tpu.memory_space<hbm>>
    tpu.enqueue_dma source(%dma_start3A_23 : memref<4096xi32, #tpu.memory_space<hbm>>) target(%arg7 : memref<4096xi32, #tpu.memory_space<vmem>>) target_semaphore(%arg11 : memref<!tpu.dma_semaphore, #tpu.memory_space<semaphore_mem>>)
    %dma_wait3A = arith.constant 0 : i32
    %dma_wait3A_24 = tpu.memref_slice %arg3[%select_n3A, %dma_wait3A] : memref<26x4096xi32, #tpu.memory_space<hbm>> -> memref<1x4096xi32, #tpu.memory_space<hbm>>
    %dma_wait3A_25 = tpu.memref_squeeze %dma_wait3A_24 : memref<1x4096xi32, #tpu.memory_space<hbm>> -> memref<4096xi32, #tpu.memory_space<hbm>>
    %dma_wait3A_26 = arith.constant 0 : i32
    %dma_wait3A_27 = tpu.memref_slice %arg3[%select_n3A, %dma_wait3A_26] : memref<26x4096xi32, #tpu.memory_space<hbm>> -> memref<1x4096xi32, #tpu.memory_space<hbm>>
    %dma_wait3A_28 = tpu.memref_squeeze %dma_wait3A_27 : memref<1x4096xi32, #tpu.memory_space<hbm>> -> memref<4096xi32, #tpu.memory_space<hbm>>
    tpu.wait_dma2 semaphore(%arg11 : memref<!tpu.dma_semaphore, #tpu.memory_space<semaphore_mem>>) src(%dma_wait3A_28 : memref<4096xi32, #tpu.memory_space<hbm>>) dst(%arg7 : memref<4096xi32, #tpu.memory_space<vmem>>)
    %dma_start3A_29 = arith.constant 0 : i32
    %dma_start3A_30 = arith.constant 0 : i32
    %dma_start3A_31 = tpu.memref_slice %arg4[%select_n3A, %dma_start3A_29, %dma_start3A_30] : memref<26x64x16xf32, #tpu.memory_space<hbm>> -> memref<1x64x16xf32, #tpu.memory_space<hbm>>
    %dma_start3A_32 = tpu.memref_squeeze %dma_start3A_31 : memref<1x64x16xf32, #tpu.memory_space<hbm>> -> memref<64x16xf32, #tpu.memory_space<hbm>>
    %dma_start3A_33 = arith.constant 0 : i32
    %dma_start3A_34 = arith.constant 0 : i32
    %dma_start3A_35 = tpu.memref_slice %arg4[%select_n3A, %dma_start3A_33, %dma_start3A_34] : memref<26x64x16xf32, #tpu.memory_space<hbm>> -> memref<1x64x16xf32, #tpu.memory_space<hbm>>
    %dma_start3A_36 = tpu.memref_squeeze %dma_start3A_35 : memref<1x64x16xf32, #tpu.memory_space<hbm>> -> memref<64x16xf32, #tpu.memory_space<hbm>>
    tpu.enqueue_dma source(%dma_start3A_36 : memref<64x16xf32, #tpu.memory_space<hbm>>) target(%arg10 : memref<64x16xf32, #tpu.memory_space<vmem>>) target_semaphore(%arg11 : memref<!tpu.dma_semaphore, #tpu.memory_space<semaphore_mem>>)
    %dma_wait3A_37 = arith.constant 0 : i32
    %dma_wait3A_38 = arith.constant 0 : i32
    %dma_wait3A_39 = tpu.memref_slice %arg4[%select_n3A, %dma_wait3A_37, %dma_wait3A_38] : memref<26x64x16xf32, #tpu.memory_space<hbm>> -> memref<1x64x16xf32, #tpu.memory_space<hbm>>
    %dma_wait3A_40 = tpu.memref_squeeze %dma_wait3A_39 : memref<1x64x16xf32, #tpu.memory_space<hbm>> -> memref<64x16xf32, #tpu.memory_space<hbm>>
    %dma_wait3A_41 = arith.constant 0 : i32
    %dma_wait3A_42 = arith.constant 0 : i32
    %dma_wait3A_43 = tpu.memref_slice %arg4[%select_n3A, %dma_wait3A_41, %dma_wait3A_42] : memref<26x64x16xf32, #tpu.memory_space<hbm>> -> memref<1x64x16xf32, #tpu.memory_space<hbm>>
    %dma_wait3A_44 = tpu.memref_squeeze %dma_wait3A_43 : memref<1x64x16xf32, #tpu.memory_space<hbm>> -> memref<64x16xf32, #tpu.memory_space<hbm>>
    tpu.wait_dma2 semaphore(%arg11 : memref<!tpu.dma_semaphore, #tpu.memory_space<semaphore_mem>>) src(%dma_wait3A_44 : memref<64x16xf32, #tpu.memory_space<hbm>>) dst(%arg10 : memref<64x16xf32, #tpu.memory_space<vmem>>)
    %jit3A_45 = arith.constant 64 : i32
    %div3A_46 = arith.divsi %mul3A_2, %jit3A_45 : i32
    %sign3A_47 = arith.constant 0 : i32
    %sign3A_48 = arith.cmpi sgt, %mul3A_2, %sign3A_47 : i32
    %sign3A_49 = arith.extui %sign3A_48 : i1 to i32
    %sign3A_50 = arith.constant 0 : i32
    %sign3A_51 = arith.cmpi slt, %mul3A_2, %sign3A_50 : i32
    %sign3A_52 = arith.extui %sign3A_51 : i1 to i32
    %sign3A_53 = arith.subi %sign3A_49, %sign3A_52 : i32
    %sign3A_54 = arith.constant 0 : i32
    %sign3A_55 = arith.cmpi sgt, %jit3A_45, %sign3A_54 : i32
    %sign3A_56 = arith.extui %sign3A_55 : i1 to i32
    %sign3A_57 = arith.constant 0 : i32
    %sign3A_58 = arith.cmpi slt, %jit3A_45, %sign3A_57 : i32
    %sign3A_59 = arith.extui %sign3A_58 : i1 to i32
    %sign3A_60 = arith.subi %sign3A_56, %sign3A_59 : i32
    %ne3A_61 = arith.cmpi ne, %sign3A_53, %sign3A_60 : i32
    %rem3A_62 = arith.remsi %mul3A_2, %jit3A_45 : i32
    %ne3A_63 = arith.constant 0 : i32
    %ne3A_64 = arith.cmpi ne, %rem3A_62, %ne3A_63 : i32
    %and3A_65 = arith.andi %ne3A_61, %ne3A_64 : i1
    %sub3A_66 = arith.constant 1 : i32
    %sub3A_67 = arith.subi %div3A_46, %sub3A_66 : i32
    %select_n3A_68 = arith.select %and3A_65, %sub3A_67, %div3A_46 : i32
    %jit3A_69 = arith.constant 64 : i32
    %eq3A = arith.constant 0 : i32
    %eq3A_70 = arith.cmpi eq, %jit3A_69, %eq3A : i32
    %jit3A_71 = arith.constant 1 : i32
    %select_n3A_72 = arith.select %eq3A_70, %jit3A_71, %jit3A_69 : i32
    %rem3A_73 = arith.remsi %mul3A_2, %select_n3A_72 : i32
    %ne3A_74 = arith.constant 0 : i32
    %ne3A_75 = arith.cmpi ne, %rem3A_73, %ne3A_74 : i32
    %lt3A = arith.constant 0 : i32
    %lt3A_76 = arith.cmpi slt, %rem3A_73, %lt3A : i32
    %lt3A_77 = arith.constant 0 : i32
    %lt3A_78 = arith.cmpi slt, %select_n3A_72, %lt3A_77 : i32
    %ne3A_79 = arith.xori %lt3A_76, %lt3A_78 : i1
    %and3A_80 = arith.andi %ne3A_79, %ne3A_75 : i1
    %add3A_81 = arith.addi %rem3A_73, %select_n3A_72 : i32
    %select_n3A_82 = arith.select %and3A_80, %add3A_81, %rem3A_73 : i32
    %dma_start3A_83 = arith.constant 0 : i32
    %dma_start3A_84 = tpu.memref_slice %arg2[%select_n3A_68, %select_n3A_82, %dma_start3A_83] : memref<26x64x100000xf32, #tpu.memory_space<hbm>> -> memref<1x1x100000xf32, #tpu.memory_space<hbm>>
    %dma_start3A_85 = tpu.memref_squeeze %dma_start3A_84 : memref<1x1x100000xf32, #tpu.memory_space<hbm>> -> memref<100000xf32, #tpu.memory_space<hbm>>
    %dma_start3A_86 = arith.constant 0 : i32
    %dma_start3A_87 = tpu.memref_slice %arg2[%select_n3A_68, %select_n3A_82, %dma_start3A_86] : memref<26x64x100000xf32, #tpu.memory_space<hbm>> -> memref<1x1x100000xf32, #tpu.memory_space<hbm>>
    %dma_start3A_88 = tpu.memref_squeeze %dma_start3A_87 : memref<1x1x100000xf32, #tpu.memory_space<hbm>> -> memref<100000xf32, #tpu.memory_space<hbm>>
    tpu.enqueue_dma source(%dma_start3A_88 : memref<100000xf32, #tpu.memory_space<hbm>>) target(%arg6 : memref<100000xf32, #tpu.memory_space<vmem>>) target_semaphore(%arg12 : memref<!tpu.dma_semaphore, #tpu.memory_space<semaphore_mem>>)
    %scan3A = arith.constant 0 : i32
    %scan3A_89 = arith.constant 26 : i32
    %scan3A_90 = arith.addi %scan3A, %scan3A_89 : i32
    %scan3A_91 = arith.constant 1 : i32
    scf.for %scan3A_197 = %scan3A to %scan3A_90 step %scan3A_91  : i32 {
      %mul3A_198 = arith.constant 2 : i32
      %mul3A_199 = arith.muli %scan3A_197, %mul3A_198 : i32
      %add3A_200 = arith.addi %mul3A_2, %mul3A_199 : i32
      %add3A_201 = arith.constant 0 : i32
      %add3A_202 = arith.addi %add3A_200, %add3A_201 : i32
      %jit3A_203 = arith.constant 64 : i32
      %div3A_204 = arith.divsi %add3A_202, %jit3A_203 : i32
      %sign3A_205 = arith.constant 0 : i32
      %sign3A_206 = arith.cmpi sgt, %add3A_202, %sign3A_205 : i32
      %sign3A_207 = arith.extui %sign3A_206 : i1 to i32
      %sign3A_208 = arith.constant 0 : i32
      %sign3A_209 = arith.cmpi slt, %add3A_202, %sign3A_208 : i32
      %sign3A_210 = arith.extui %sign3A_209 : i1 to i32
      %sign3A_211 = arith.subi %sign3A_207, %sign3A_210 : i32
      %sign3A_212 = arith.constant 0 : i32
      %sign3A_213 = arith.cmpi sgt, %jit3A_203, %sign3A_212 : i32
      %sign3A_214 = arith.extui %sign3A_213 : i1 to i32
      %sign3A_215 = arith.constant 0 : i32
      %sign3A_216 = arith.cmpi slt, %jit3A_203, %sign3A_215 : i32
      %sign3A_217 = arith.extui %sign3A_216 : i1 to i32
      %sign3A_218 = arith.subi %sign3A_214, %sign3A_217 : i32
      %ne3A_219 = arith.cmpi ne, %sign3A_211, %sign3A_218 : i32
      %rem3A_220 = arith.remsi %add3A_202, %jit3A_203 : i32
      %ne3A_221 = arith.constant 0 : i32
      %ne3A_222 = arith.cmpi ne, %rem3A_220, %ne3A_221 : i32
      %and3A_223 = arith.andi %ne3A_219, %ne3A_222 : i1
      %sub3A_224 = arith.constant 1 : i32
      %sub3A_225 = arith.subi %div3A_204, %sub3A_224 : i32
      %select_n3A_226 = arith.select %and3A_223, %sub3A_225, %div3A_204 : i32
      %jit3A_227 = arith.constant 64 : i32
      %eq3A_228 = arith.constant 0 : i32
      %eq3A_229 = arith.cmpi eq, %jit3A_227, %eq3A_228 : i32
      %jit3A_230 = arith.constant 1 : i32
      %select_n3A_231 = arith.select %eq3A_229, %jit3A_230, %jit3A_227 : i32
      %rem3A_232 = arith.remsi %add3A_202, %select_n3A_231 : i32
      %ne3A_233 = arith.constant 0 : i32
      %ne3A_234 = arith.cmpi ne, %rem3A_232, %ne3A_233 : i32
      %lt3A_235 = arith.constant 0 : i32
      %lt3A_236 = arith.cmpi slt, %rem3A_232, %lt3A_235 : i32
      %lt3A_237 = arith.constant 0 : i32
      %lt3A_238 = arith.cmpi slt, %select_n3A_231, %lt3A_237 : i32
      %ne3A_239 = arith.xori %lt3A_236, %lt3A_238 : i1
      %and3A_240 = arith.andi %ne3A_239, %ne3A_234 : i1
      %add3A_241 = arith.addi %rem3A_232, %select_n3A_231 : i32
      %select_n3A_242 = arith.select %and3A_240, %add3A_241, %rem3A_232 : i32
      %add3A_243 = arith.constant 0 : i32
      %add3A_244 = arith.addi %mul3A_199, %add3A_243 : i32
      %gt3A = arith.constant 0 : i32
      %gt3A_245 = arith.cmpi sgt, %add3A_244, %gt3A : i32
      %eq3A_246 = arith.constant 0 : i32
      %eq3A_247 = arith.cmpi eq, %select_n3A_242, %eq3A_246 : i32
      %and3A_248 = arith.andi %gt3A_245, %eq3A_247 : i1
      %convert_element_type3A = arith.extui %and3A_248 : i1 to i32
      %cond3A = arith.constant 0 : i32
      %cond3A_249 = arith.cmpi ne, %convert_element_type3A, %cond3A : i32
      scf.if %cond3A_249 {
        %dma_start3A_368 = arith.constant 0 : i32
        %dma_start3A_369 = tpu.memref_slice %arg3[%select_n3A_226, %dma_start3A_368] : memref<26x4096xi32, #tpu.memory_space<hbm>> -> memref<1x4096xi32, #tpu.memory_space<hbm>>
        %dma_start3A_370 = tpu.memref_squeeze %dma_start3A_369 : memref<1x4096xi32, #tpu.memory_space<hbm>> -> memref<4096xi32, #tpu.memory_space<hbm>>
        %dma_start3A_371 = arith.constant 0 : i32
        %dma_start3A_372 = tpu.memref_slice %arg3[%select_n3A_226, %dma_start3A_371] : memref<26x4096xi32, #tpu.memory_space<hbm>> -> memref<1x4096xi32, #tpu.memory_space<hbm>>
        %dma_start3A_373 = tpu.memref_squeeze %dma_start3A_372 : memref<1x4096xi32, #tpu.memory_space<hbm>> -> memref<4096xi32, #tpu.memory_space<hbm>>
        tpu.enqueue_dma source(%dma_start3A_373 : memref<4096xi32, #tpu.memory_space<hbm>>) target(%arg7 : memref<4096xi32, #tpu.memory_space<vmem>>) target_semaphore(%arg11 : memref<!tpu.dma_semaphore, #tpu.memory_space<semaphore_mem>>)
        %dma_wait3A_374 = arith.constant 0 : i32
        %dma_wait3A_375 = tpu.memref_slice %arg3[%select_n3A_226, %dma_wait3A_374] : memref<26x4096xi32, #tpu.memory_space<hbm>> -> memref<1x4096xi32, #tpu.memory_space<hbm>>
        %dma_wait3A_376 = tpu.memref_squeeze %dma_wait3A_375 : memref<1x4096xi32, #tpu.memory_space<hbm>> -> memref<4096xi32, #tpu.memory_space<hbm>>
        %dma_wait3A_377 = arith.constant 0 : i32
        %dma_wait3A_378 = tpu.memref_slice %arg3[%select_n3A_226, %dma_wait3A_377] : memref<26x4096xi32, #tpu.memory_space<hbm>> -> memref<1x4096xi32, #tpu.memory_space<hbm>>
        %dma_wait3A_379 = tpu.memref_squeeze %dma_wait3A_378 : memref<1x4096xi32, #tpu.memory_space<hbm>> -> memref<4096xi32, #tpu.memory_space<hbm>>
        tpu.wait_dma2 semaphore(%arg11 : memref<!tpu.dma_semaphore, #tpu.memory_space<semaphore_mem>>) src(%dma_wait3A_379 : memref<4096xi32, #tpu.memory_space<hbm>>) dst(%arg7 : memref<4096xi32, #tpu.memory_space<vmem>>)
        %dma_start3A_380 = arith.constant 0 : i32
        %dma_start3A_381 = arith.constant 0 : i32
        %dma_start3A_382 = tpu.memref_slice %arg4[%select_n3A_226, %dma_start3A_380, %dma_start3A_381] : memref<26x64x16xf32, #tpu.memory_space<hbm>> -> memref<1x64x16xf32, #tpu.memory_space<hbm>>
        %dma_start3A_383 = tpu.memref_squeeze %dma_start3A_382 : memref<1x64x16xf32, #tpu.memory_space<hbm>> -> memref<64x16xf32, #tpu.memory_space<hbm>>
        %dma_start3A_384 = arith.constant 0 : i32
        %dma_start3A_385 = arith.constant 0 : i32
        %dma_start3A_386 = tpu.memref_slice %arg4[%select_n3A_226, %dma_start3A_384, %dma_start3A_385] : memref<26x64x16xf32, #tpu.memory_space<hbm>> -> memref<1x64x16xf32, #tpu.memory_space<hbm>>
        %dma_start3A_387 = tpu.memref_squeeze %dma_start3A_386 : memref<1x64x16xf32, #tpu.memory_space<hbm>> -> memref<64x16xf32, #tpu.memory_space<hbm>>
        tpu.enqueue_dma source(%dma_start3A_387 : memref<64x16xf32, #tpu.memory_space<hbm>>) target(%arg10 : memref<64x16xf32, #tpu.memory_space<vmem>>) target_semaphore(%arg11 : memref<!tpu.dma_semaphore, #tpu.memory_space<semaphore_mem>>)
        %dma_wait3A_388 = arith.constant 0 : i32
        %dma_wait3A_389 = arith.constant 0 : i32
        %dma_wait3A_390 = tpu.memref_slice %arg4[%select_n3A_226, %dma_wait3A_388, %dma_wait3A_389] : memref<26x64x16xf32, #tpu.memory_space<hbm>> -> memref<1x64x16xf32, #tpu.memory_space<hbm>>
        %dma_wait3A_391 = tpu.memref_squeeze %dma_wait3A_390 : memref<1x64x16xf32, #tpu.memory_space<hbm>> -> memref<64x16xf32, #tpu.memory_space<hbm>>
        %dma_wait3A_392 = arith.constant 0 : i32
        %dma_wait3A_393 = arith.constant 0 : i32
        %dma_wait3A_394 = tpu.memref_slice %arg4[%select_n3A_226, %dma_wait3A_392, %dma_wait3A_393] : memref<26x64x16xf32, #tpu.memory_space<hbm>> -> memref<1x64x16xf32, #tpu.memory_space<hbm>>
        %dma_wait3A_395 = tpu.memref_squeeze %dma_wait3A_394 : memref<1x64x16xf32, #tpu.memory_space<hbm>> -> memref<64x16xf32, #tpu.memory_space<hbm>>
        tpu.wait_dma2 semaphore(%arg11 : memref<!tpu.dma_semaphore, #tpu.memory_space<semaphore_mem>>) src(%dma_wait3A_395 : memref<64x16xf32, #tpu.memory_space<hbm>>) dst(%arg10 : memref<64x16xf32, #tpu.memory_space<vmem>>)
      } else {
      }
      %get3A = arith.index_cast %select_n3A_242 : i32 to index
      %get3A_250 = arith.constant 0 : index
      %get3A_251 = tpu.vector_load %arg10[%get3A, %get3A_250] {strides = array<i32>} : memref<64x16xf32, #tpu.memory_space<vmem>>, vector<16xf32>,
      %dma_wait3A_252 = arith.constant 0 : i32
      %dma_wait3A_253 = tpu.memref_slice %arg2[%select_n3A_226, %select_n3A_242, %dma_wait3A_252] : memref<26x64x100000xf32, #tpu.memory_space<hbm>> -> memref<1x1x100000xf32, #tpu.memory_space<hbm>>
      %dma_wait3A_254 = tpu.memref_squeeze %dma_wait3A_253 : memref<1x1x100000xf32, #tpu.memory_space<hbm>> -> memref<100000xf32, #tpu.memory_space<hbm>>
      %dma_wait3A_255 = arith.constant 0 : i32
      %dma_wait3A_256 = tpu.memref_slice %arg2[%select_n3A_226, %select_n3A_242, %dma_wait3A_255] : memref<26x64x100000xf32, #tpu.memory_space<hbm>> -> memref<1x1x100000xf32, #tpu.memory_space<hbm>>
      %dma_wait3A_257 = tpu.memref_squeeze %dma_wait3A_256 : memref<1x1x100000xf32, #tpu.memory_space<hbm>> -> memref<100000xf32, #tpu.memory_space<hbm>>
      tpu.wait_dma2 semaphore(%arg12 : memref<!tpu.dma_semaphore, #tpu.memory_space<semaphore_mem>>) src(%dma_wait3A_257 : memref<100000xf32, #tpu.memory_space<hbm>>) dst(%arg6 : memref<100000xf32, #tpu.memory_space<vmem>>)
      %add3A_258 = arith.constant 0 : i32
      %add3A_259 = arith.addi %mul3A_199, %add3A_258 : i32
      %ge3A = arith.constant 2 : i32
      %ge3A_260 = arith.cmpi sge, %add3A_259, %ge3A : i32
      %convert_element_type3A_261 = arith.extui %ge3A_260 : i1 to i32
      %cond3A_262 = arith.constant 0 : i32
      %cond3A_263 = arith.cmpi ne, %convert_element_type3A_261, %cond3A_262 : i32
      scf.if %cond3A_263 {
        %dma_wait3A_368 = arith.constant 0 : i32
        %dma_wait3A_369 = tpu.memref_slice %arg5[%select_n3A_226, %select_n3A_242, %dma_wait3A_368] : memref<26x64x4096xf32, #tpu.memory_space<hbm>> -> memref<1x1x4096xf32, #tpu.memory_space<hbm>>
        %dma_wait3A_370 = tpu.memref_squeeze %dma_wait3A_369 : memref<1x1x4096xf32, #tpu.memory_space<hbm>> -> memref<4096xf32, #tpu.memory_space<hbm>>
        %dma_wait3A_371 = arith.constant 0 : i32
        %dma_wait3A_372 = tpu.memref_slice %arg5[%select_n3A_226, %select_n3A_242, %dma_wait3A_371] : memref<26x64x4096xf32, #tpu.memory_space<hbm>> -> memref<1x1x4096xf32, #tpu.memory_space<hbm>>
        %dma_wait3A_373 = tpu.memref_squeeze %dma_wait3A_372 : memref<1x1x4096xf32, #tpu.memory_space<hbm>> -> memref<4096xf32, #tpu.memory_space<hbm>>
        tpu.wait_dma2 semaphore(%arg14 : memref<!tpu.dma_semaphore, #tpu.memory_space<semaphore_mem>>) src(%arg8 : memref<4096xf32, #tpu.memory_space<vmem>>) dst(%dma_wait3A_373 : memref<4096xf32, #tpu.memory_space<hbm>>)
      } else {
      }
      %parallel_loop3A = arith.constant 0 : i32
      %parallel_loop3A_264 = arith.constant 256 : i32
      %parallel_loop3A_265 = arith.constant 1 : i32
      scf.for %parallel_loop3A_368 = %parallel_loop3A to %parallel_loop3A_264 step %parallel_loop3A_265  : i32 {
        %parallel_loop3A_369 = arith.constant 16 : i32
        %parallel_loop3A_370 = arith.muli %parallel_loop3A_368, %parallel_loop3A_369 : i32
        %parallel_loop3A_371 = arith.index_cast %parallel_loop3A_370 : i32 to index
        %parallel_loop3A_372 = tpu.vector_load %arg7[%parallel_loop3A_371] {strides = array<i32>} : memref<4096xi32, #tpu.memory_space<vmem>>, vector<16xi32>,
        %parallel_loop3A_373 = tpu.vector_load_idx %arg6[%parallel_loop3A_372] : memref<100000xf32, #tpu.memory_space<vmem>>[vector<16xi32>], vector<16xf32>,
        %parallel_loop3A_374 = arith.addf %parallel_loop3A_373, %get3A_251 : vector<16xf32>
        %parallel_loop3A_375 = arith.constant 16 : i32
        %parallel_loop3A_376 = arith.muli %parallel_loop3A_368, %parallel_loop3A_375 : i32
        %parallel_loop3A_377 = arith.index_cast %parallel_loop3A_376 : i32 to index
        %parallel_loop3A_378 = tpu.vector_load %arg8[%parallel_loop3A_377] {strides = array<i32>} : memref<4096xf32, #tpu.memory_space<vmem>>, vector<16xf32>,
        tpu.vector_store %arg8[%parallel_loop3A_377], %parallel_loop3A_374 {strides = array<i32>} : memref<4096xf32, #tpu.memory_space<vmem>>, vector<16xf32>,
      } {sc.loop_unroll_factor = 16 : i64, sc.parallel_access}
      %dma_start3A_266 = arith.constant 0 : i32
      %dma_start3A_267 = tpu.memref_slice %arg5[%select_n3A_226, %select_n3A_242, %dma_start3A_266] : memref<26x64x4096xf32, #tpu.memory_space<hbm>> -> memref<1x1x4096xf32, #tpu.memory_space<hbm>>
      %dma_start3A_268 = tpu.memref_squeeze %dma_start3A_267 : memref<1x1x4096xf32, #tpu.memory_space<hbm>> -> memref<4096xf32, #tpu.memory_space<hbm>>
      %dma_start3A_269 = arith.constant 0 : i32
      %dma_start3A_270 = tpu.memref_slice %arg5[%select_n3A_226, %select_n3A_242, %dma_start3A_269] : memref<26x64x4096xf32, #tpu.memory_space<hbm>> -> memref<1x1x4096xf32, #tpu.memory_space<hbm>>
      %dma_start3A_271 = tpu.memref_squeeze %dma_start3A_270 : memref<1x1x4096xf32, #tpu.memory_space<hbm>> -> memref<4096xf32, #tpu.memory_space<hbm>>
      tpu.enqueue_dma source(%arg8 : memref<4096xf32, #tpu.memory_space<vmem>>) target(%dma_start3A_271 : memref<4096xf32, #tpu.memory_space<hbm>>) target_semaphore(%arg14 : memref<!tpu.dma_semaphore, #tpu.memory_space<semaphore_mem>>)
      %add3A_272 = arith.constant 0 : i32
      %add3A_273 = arith.addi %mul3A_199, %add3A_272 : i32
      %add3A_274 = arith.constant 1 : i32
      %add3A_275 = arith.addi %add3A_273, %add3A_274 : i32
      %lt3A_276 = arith.constant 52 : i32
      %lt3A_277 = arith.cmpi slt, %add3A_275, %lt3A_276 : i32
      %convert_element_type3A_278 = arith.extui %lt3A_277 : i1 to i32
      %cond3A_279 = arith.constant 0 : i32
      %cond3A_280 = arith.cmpi ne, %convert_element_type3A_278, %cond3A_279 : i32
      scf.if %cond3A_280 {
        %add3A_368 = arith.constant 1 : i32
        %add3A_369 = arith.addi %add3A_202, %add3A_368 : i32
        %jit3A_370 = arith.constant 64 : i32
        %div3A_371 = arith.divsi %add3A_369, %jit3A_370 : i32
        %sign3A_372 = arith.constant 0 : i32
        %sign3A_373 = arith.cmpi sgt, %add3A_369, %sign3A_372 : i32
        %sign3A_374 = arith.extui %sign3A_373 : i1 to i32
        %sign3A_375 = arith.constant 0 : i32
        %sign3A_376 = arith.cmpi slt, %add3A_369, %sign3A_375 : i32
        %sign3A_377 = arith.extui %sign3A_376 : i1 to i32
        %sign3A_378 = arith.subi %sign3A_374, %sign3A_377 : i32
        %sign3A_379 = arith.constant 0 : i32
        %sign3A_380 = arith.cmpi sgt, %jit3A_370, %sign3A_379 : i32
        %sign3A_381 = arith.extui %sign3A_380 : i1 to i32
        %sign3A_382 = arith.constant 0 : i32
        %sign3A_383 = arith.cmpi slt, %jit3A_370, %sign3A_382 : i32
        %sign3A_384 = arith.extui %sign3A_383 : i1 to i32
        %sign3A_385 = arith.subi %sign3A_381, %sign3A_384 : i32
        %ne3A_386 = arith.cmpi ne, %sign3A_378, %sign3A_385 : i32
        %rem3A_387 = arith.remsi %add3A_369, %jit3A_370 : i32
        %ne3A_388 = arith.constant 0 : i32
        %ne3A_389 = arith.cmpi ne, %rem3A_387, %ne3A_388 : i32
        %and3A_390 = arith.andi %ne3A_386, %ne3A_389 : i1
        %sub3A_391 = arith.constant 1 : i32
        %sub3A_392 = arith.subi %div3A_371, %sub3A_391 : i32
        %select_n3A_393 = arith.select %and3A_390, %sub3A_392, %div3A_371 : i32
        %jit3A_394 = arith.constant 64 : i32
        %eq3A_395 = arith.constant 0 : i32
        %eq3A_396 = arith.cmpi eq, %jit3A_394, %eq3A_395 : i32
        %jit3A_397 = arith.constant 1 : i32
        %select_n3A_398 = arith.select %eq3A_396, %jit3A_397, %jit3A_394 : i32
        %rem3A_399 = arith.remsi %add3A_369, %select_n3A_398 : i32
        %ne3A_400 = arith.constant 0 : i32
        %ne3A_401 = arith.cmpi ne, %rem3A_399, %ne3A_400 : i32
        %lt3A_402 = arith.constant 0 : i32
        %lt3A_403 = arith.cmpi slt, %rem3A_399, %lt3A_402 : i32
        %lt3A_404 = arith.constant 0 : i32
        %lt3A_405 = arith.cmpi slt, %select_n3A_398, %lt3A_404 : i32
        %ne3A_406 = arith.xori %lt3A_403, %lt3A_405 : i1
        %and3A_407 = arith.andi %ne3A_406, %ne3A_401 : i1
        %add3A_408 = arith.addi %rem3A_399, %select_n3A_398 : i32
        %select_n3A_409 = arith.select %and3A_407, %add3A_408, %rem3A_399 : i32
        %dma_start3A_410 = arith.constant 0 : i32
        %dma_start3A_411 = tpu.memref_slice %arg2[%select_n3A_393, %select_n3A_409, %dma_start3A_410] : memref<26x64x100000xf32, #tpu.memory_space<hbm>> -> memref<1x1x100000xf32, #tpu.memory_space<hbm>>
        %dma_start3A_412 = tpu.memref_squeeze %dma_start3A_411 : memref<1x1x100000xf32, #tpu.memory_space<hbm>> -> memref<100000xf32, #tpu.memory_space<hbm>>
        %dma_start3A_413 = arith.constant 0 : i32
        %dma_start3A_414 = tpu.memref_slice %arg2[%select_n3A_393, %select_n3A_409, %dma_start3A_413] : memref<26x64x100000xf32, #tpu.memory_space<hbm>> -> memref<1x1x100000xf32, #tpu.memory_space<hbm>>
        %dma_start3A_415 = tpu.memref_squeeze %dma_start3A_414 : memref<1x1x100000xf32, #tpu.memory_space<hbm>> -> memref<100000xf32, #tpu.memory_space<hbm>>
        tpu.enqueue_dma source(%dma_start3A_415 : memref<100000xf32, #tpu.memory_space<hbm>>) target(%arg6 : memref<100000xf32, #tpu.memory_space<vmem>>) target_semaphore(%arg12 : memref<!tpu.dma_semaphore, #tpu.memory_space<semaphore_mem>>)
      } else {
      }
      %add3A_281 = arith.addi %mul3A_2, %mul3A_199 : i32
      %add3A_282 = arith.constant 1 : i32
      %add3A_283 = arith.addi %add3A_281, %add3A_282 : i32
      %jit3A_284 = arith.constant 64 : i32
      %div3A_285 = arith.divsi %add3A_283, %jit3A_284 : i32
      %sign3A_286 = arith.constant 0 : i32
      %sign3A_287 = arith.cmpi sgt, %add3A_283, %sign3A_286 : i32
      %sign3A_288 = arith.extui %sign3A_287 : i1 to i32
      %sign3A_289 = arith.constant 0 : i32
      %sign3A_290 = arith.cmpi slt, %add3A_283, %sign3A_289 : i32
      %sign3A_291 = arith.extui %sign3A_290 : i1 to i32
      %sign3A_292 = arith.subi %sign3A_288, %sign3A_291 : i32
      %sign3A_293 = arith.constant 0 : i32
      %sign3A_294 = arith.cmpi sgt, %jit3A_284, %sign3A_293 : i32
      %sign3A_295 = arith.extui %sign3A_294 : i1 to i32
      %sign3A_296 = arith.constant 0 : i32
      %sign3A_297 = arith.cmpi slt, %jit3A_284, %sign3A_296 : i32
      %sign3A_298 = arith.extui %sign3A_297 : i1 to i32
      %sign3A_299 = arith.subi %sign3A_295, %sign3A_298 : i32
      %ne3A_300 = arith.cmpi ne, %sign3A_292, %sign3A_299 : i32
      %rem3A_301 = arith.remsi %add3A_283, %jit3A_284 : i32
      %ne3A_302 = arith.constant 0 : i32
      %ne3A_303 = arith.cmpi ne, %rem3A_301, %ne3A_302 : i32
      %and3A_304 = arith.andi %ne3A_300, %ne3A_303 : i1
      %sub3A_305 = arith.constant 1 : i32
      %sub3A_306 = arith.subi %div3A_285, %sub3A_305 : i32
      %select_n3A_307 = arith.select %and3A_304, %sub3A_306, %div3A_285 : i32
      %jit3A_308 = arith.constant 64 : i32
      %eq3A_309 = arith.constant 0 : i32
      %eq3A_310 = arith.cmpi eq, %jit3A_308, %eq3A_309 : i32
      %jit3A_311 = arith.constant 1 : i32
      %select_n3A_312 = arith.select %eq3A_310, %jit3A_311, %jit3A_308 : i32
      %rem3A_313 = arith.remsi %add3A_283, %select_n3A_312 : i32
      %ne3A_314 = arith.constant 0 : i32
      %ne3A_315 = arith.cmpi ne, %rem3A_313, %ne3A_314 : i32
      %lt3A_316 = arith.constant 0 : i32
      %lt3A_317 = arith.cmpi slt, %rem3A_313, %lt3A_316 : i32
      %lt3A_318 = arith.constant 0 : i32
      %lt3A_319 = arith.cmpi slt, %select_n3A_312, %lt3A_318 : i32
      %ne3A_320 = arith.xori %lt3A_317, %lt3A_319 : i1
      %and3A_321 = arith.andi %ne3A_320, %ne3A_315 : i1
      %add3A_322 = arith.addi %rem3A_313, %select_n3A_312 : i32
      %select_n3A_323 = arith.select %and3A_321, %add3A_322, %rem3A_313 : i32
      %add3A_324 = arith.constant 1 : i32
      %add3A_325 = arith.addi %mul3A_199, %add3A_324 : i32
      %gt3A_326 = arith.constant 0 : i32
      %gt3A_327 = arith.cmpi sgt, %add3A_325, %gt3A_326 : i32
      %eq3A_328 = arith.constant 0 : i32
      %eq3A_329 = arith.cmpi eq, %select_n3A_323, %eq3A_328 : i32
      %and3A_330 = arith.andi %gt3A_327, %eq3A_329 : i1
      %convert_element_type3A_331 = arith.extui %and3A_330 : i1 to i32
      %cond3A_332 = arith.constant 0 : i32
      %cond3A_333 = arith.cmpi ne, %convert_element_type3A_331, %cond3A_332 : i32
      scf.if %cond3A_333 {
        %dma_start3A_368 = arith.constant 0 : i32
        %dma_start3A_369 = tpu.memref_slice %arg3[%select_n3A_307, %dma_start3A_368] : memref<26x4096xi32, #tpu.memory_space<hbm>> -> memref<1x4096xi32, #tpu.memory_space<hbm>>
        %dma_start3A_370 = tpu.memref_squeeze %dma_start3A_369 : memref<1x4096xi32, #tpu.memory_space<hbm>> -> memref<4096xi32, #tpu.memory_space<hbm>>
        %dma_start3A_371 = arith.constant 0 : i32
        %dma_start3A_372 = tpu.memref_slice %arg3[%select_n3A_307, %dma_start3A_371] : memref<26x4096xi32, #tpu.memory_space<hbm>> -> memref<1x4096xi32, #tpu.memory_space<hbm>>
        %dma_start3A_373 = tpu.memref_squeeze %dma_start3A_372 : memref<1x4096xi32, #tpu.memory_space<hbm>> -> memref<4096xi32, #tpu.memory_space<hbm>>
        tpu.enqueue_dma source(%dma_start3A_373 : memref<4096xi32, #tpu.memory_space<hbm>>) target(%arg7 : memref<4096xi32, #tpu.memory_space<vmem>>) target_semaphore(%arg11 : memref<!tpu.dma_semaphore, #tpu.memory_space<semaphore_mem>>)
        %dma_wait3A_374 = arith.constant 0 : i32
        %dma_wait3A_375 = tpu.memref_slice %arg3[%select_n3A_307, %dma_wait3A_374] : memref<26x4096xi32, #tpu.memory_space<hbm>> -> memref<1x4096xi32, #tpu.memory_space<hbm>>
        %dma_wait3A_376 = tpu.memref_squeeze %dma_wait3A_375 : memref<1x4096xi32, #tpu.memory_space<hbm>> -> memref<4096xi32, #tpu.memory_space<hbm>>
        %dma_wait3A_377 = arith.constant 0 : i32
        %dma_wait3A_378 = tpu.memref_slice %arg3[%select_n3A_307, %dma_wait3A_377] : memref<26x4096xi32, #tpu.memory_space<hbm>> -> memref<1x4096xi32, #tpu.memory_space<hbm>>
        %dma_wait3A_379 = tpu.memref_squeeze %dma_wait3A_378 : memref<1x4096xi32, #tpu.memory_space<hbm>> -> memref<4096xi32, #tpu.memory_space<hbm>>
        tpu.wait_dma2 semaphore(%arg11 : memref<!tpu.dma_semaphore, #tpu.memory_space<semaphore_mem>>) src(%dma_wait3A_379 : memref<4096xi32, #tpu.memory_space<hbm>>) dst(%arg7 : memref<4096xi32, #tpu.memory_space<vmem>>)
        %dma_start3A_380 = arith.constant 0 : i32
        %dma_start3A_381 = arith.constant 0 : i32
        %dma_start3A_382 = tpu.memref_slice %arg4[%select_n3A_307, %dma_start3A_380, %dma_start3A_381] : memref<26x64x16xf32, #tpu.memory_space<hbm>> -> memref<1x64x16xf32, #tpu.memory_space<hbm>>
        %dma_start3A_383 = tpu.memref_squeeze %dma_start3A_382 : memref<1x64x16xf32, #tpu.memory_space<hbm>> -> memref<64x16xf32, #tpu.memory_space<hbm>>
        %dma_start3A_384 = arith.constant 0 : i32
        %dma_start3A_385 = arith.constant 0 : i32
        %dma_start3A_386 = tpu.memref_slice %arg4[%select_n3A_307, %dma_start3A_384, %dma_start3A_385] : memref<26x64x16xf32, #tpu.memory_space<hbm>> -> memref<1x64x16xf32, #tpu.memory_space<hbm>>
        %dma_start3A_387 = tpu.memref_squeeze %dma_start3A_386 : memref<1x64x16xf32, #tpu.memory_space<hbm>> -> memref<64x16xf32, #tpu.memory_space<hbm>>
        tpu.enqueue_dma source(%dma_start3A_387 : memref<64x16xf32, #tpu.memory_space<hbm>>) target(%arg10 : memref<64x16xf32, #tpu.memory_space<vmem>>) target_semaphore(%arg11 : memref<!tpu.dma_semaphore, #tpu.memory_space<semaphore_mem>>)
        %dma_wait3A_388 = arith.constant 0 : i32
        %dma_wait3A_389 = arith.constant 0 : i32
        %dma_wait3A_390 = tpu.memref_slice %arg4[%select_n3A_307, %dma_wait3A_388, %dma_wait3A_389] : memref<26x64x16xf32, #tpu.memory_space<hbm>> -> memref<1x64x16xf32, #tpu.memory_space<hbm>>
        %dma_wait3A_391 = tpu.memref_squeeze %dma_wait3A_390 : memref<1x64x16xf32, #tpu.memory_space<hbm>> -> memref<64x16xf32, #tpu.memory_space<hbm>>
        %dma_wait3A_392 = arith.constant 0 : i32
        %dma_wait3A_393 = arith.constant 0 : i32
        %dma_wait3A_394 = tpu.memref_slice %arg4[%select_n3A_307, %dma_wait3A_392, %dma_wait3A_393] : memref<26x64x16xf32, #tpu.memory_space<hbm>> -> memref<1x64x16xf32, #tpu.memory_space<hbm>>
        %dma_wait3A_395 = tpu.memref_squeeze %dma_wait3A_394 : memref<1x64x16xf32, #tpu.memory_space<hbm>> -> memref<64x16xf32, #tpu.memory_space<hbm>>
        tpu.wait_dma2 semaphore(%arg11 : memref<!tpu.dma_semaphore, #tpu.memory_space<semaphore_mem>>) src(%dma_wait3A_395 : memref<64x16xf32, #tpu.memory_space<hbm>>) dst(%arg10 : memref<64x16xf32, #tpu.memory_space<vmem>>)
      } else {
      }
      %get3A_334 = arith.index_cast %select_n3A_323 : i32 to index
      %get3A_335 = arith.constant 0 : index
      %get3A_336 = tpu.vector_load %arg10[%get3A_334, %get3A_335] {strides = array<i32>} : memref<64x16xf32, #tpu.memory_space<vmem>>, vector<16xf32>,
      %dma_wait3A_337 = arith.constant 0 : i32
      %dma_wait3A_338 = tpu.memref_slice %arg2[%select_n3A_307, %select_n3A_323, %dma_wait3A_337] : memref<26x64x100000xf32, #tpu.memory_space<hbm>> -> memref<1x1x100000xf32, #tpu.memory_space<hbm>>
      %dma_wait3A_339 = tpu.memref_squeeze %dma_wait3A_338 : memref<1x1x100000xf32, #tpu.memory_space<hbm>> -> memref<100000xf32, #tpu.memory_space<hbm>>
      %dma_wait3A_340 = arith.constant 0 : i32
      %dma_wait3A_341 = tpu.memref_slice %arg2[%select_n3A_307, %select_n3A_323, %dma_wait3A_340] : memref<26x64x100000xf32, #tpu.memory_space<hbm>> -> memref<1x1x100000xf32, #tpu.memory_space<hbm>>
      %dma_wait3A_342 = tpu.memref_squeeze %dma_wait3A_341 : memref<1x1x100000xf32, #tpu.memory_space<hbm>> -> memref<100000xf32, #tpu.memory_space<hbm>>
      tpu.wait_dma2 semaphore(%arg12 : memref<!tpu.dma_semaphore, #tpu.memory_space<semaphore_mem>>) src(%dma_wait3A_342 : memref<100000xf32, #tpu.memory_space<hbm>>) dst(%arg6 : memref<100000xf32, #tpu.memory_space<vmem>>)
      %add3A_343 = arith.constant 1 : i32
      %add3A_344 = arith.addi %mul3A_199, %add3A_343 : i32
      %ge3A_345 = arith.constant 2 : i32
      %ge3A_346 = arith.cmpi sge, %add3A_344, %ge3A_345 : i32
      %convert_element_type3A_347 = arith.extui %ge3A_346 : i1 to i32
      %cond3A_348 = arith.constant 0 : i32
      %cond3A_349 = arith.cmpi ne, %convert_element_type3A_347, %cond3A_348 : i32
      scf.if %cond3A_349 {
        %dma_wait3A_368 = arith.constant 0 : i32
        %dma_wait3A_369 = tpu.memref_slice %arg5[%select_n3A_307, %select_n3A_323, %dma_wait3A_368] : memref<26x64x4096xf32, #tpu.memory_space<hbm>> -> memref<1x1x4096xf32, #tpu.memory_space<hbm>>
        %dma_wait3A_370 = tpu.memref_squeeze %dma_wait3A_369 : memref<1x1x4096xf32, #tpu.memory_space<hbm>> -> memref<4096xf32, #tpu.memory_space<hbm>>
        %dma_wait3A_371 = arith.constant 0 : i32
        %dma_wait3A_372 = tpu.memref_slice %arg5[%select_n3A_307, %select_n3A_323, %dma_wait3A_371] : memref<26x64x4096xf32, #tpu.memory_space<hbm>> -> memref<1x1x4096xf32, #tpu.memory_space<hbm>>
        %dma_wait3A_373 = tpu.memref_squeeze %dma_wait3A_372 : memref<1x1x4096xf32, #tpu.memory_space<hbm>> -> memref<4096xf32, #tpu.memory_space<hbm>>
        tpu.wait_dma2 semaphore(%arg15 : memref<!tpu.dma_semaphore, #tpu.memory_space<semaphore_mem>>) src(%arg9 : memref<4096xf32, #tpu.memory_space<vmem>>) dst(%dma_wait3A_373 : memref<4096xf32, #tpu.memory_space<hbm>>)
      } else {
      }
      %parallel_loop3A_350 = arith.constant 0 : i32
      %parallel_loop3A_351 = arith.constant 256 : i32
      %parallel_loop3A_352 = arith.constant 1 : i32
      scf.for %parallel_loop3A_368 = %parallel_loop3A_350 to %parallel_loop3A_351 step %parallel_loop3A_352  : i32 {
        %parallel_loop3A_369 = arith.constant 16 : i32
        %parallel_loop3A_370 = arith.muli %parallel_loop3A_368, %parallel_loop3A_369 : i32
        %parallel_loop3A_371 = arith.index_cast %parallel_loop3A_370 : i32 to index
        %parallel_loop3A_372 = tpu.vector_load %arg7[%parallel_loop3A_371] {strides = array<i32>} : memref<4096xi32, #tpu.memory_space<vmem>>, vector<16xi32>,
        %parallel_loop3A_373 = tpu.vector_load_idx %arg6[%parallel_loop3A_372] : memref<100000xf32, #tpu.memory_space<vmem>>[vector<16xi32>], vector<16xf32>,
        %parallel_loop3A_374 = arith.addf %parallel_loop3A_373, %get3A_336 : vector<16xf32>
        %parallel_loop3A_375 = arith.constant 16 : i32
        %parallel_loop3A_376 = arith.muli %parallel_loop3A_368, %parallel_loop3A_375 : i32
        %parallel_loop3A_377 = arith.index_cast %parallel_loop3A_376 : i32 to index
        %parallel_loop3A_378 = tpu.vector_load %arg9[%parallel_loop3A_377] {strides = array<i32>} : memref<4096xf32, #tpu.memory_space<vmem>>, vector<16xf32>,
        tpu.vector_store %arg9[%parallel_loop3A_377], %parallel_loop3A_374 {strides = array<i32>} : memref<4096xf32, #tpu.memory_space<vmem>>, vector<16xf32>,
      } {sc.loop_unroll_factor = 16 : i64, sc.parallel_access}
      %dma_start3A_353 = arith.constant 0 : i32
      %dma_start3A_354 = tpu.memref_slice %arg5[%select_n3A_307, %select_n3A_323, %dma_start3A_353] : memref<26x64x4096xf32, #tpu.memory_space<hbm>> -> memref<1x1x4096xf32, #tpu.memory_space<hbm>>
      %dma_start3A_355 = tpu.memref_squeeze %dma_start3A_354 : memref<1x1x4096xf32, #tpu.memory_space<hbm>> -> memref<4096xf32, #tpu.memory_space<hbm>>
      %dma_start3A_356 = arith.constant 0 : i32
      %dma_start3A_357 = tpu.memref_slice %arg5[%select_n3A_307, %select_n3A_323, %dma_start3A_356] : memref<26x64x4096xf32, #tpu.memory_space<hbm>> -> memref<1x1x4096xf32, #tpu.memory_space<hbm>>
      %dma_start3A_358 = tpu.memref_squeeze %dma_start3A_357 : memref<1x1x4096xf32, #tpu.memory_space<hbm>> -> memref<4096xf32, #tpu.memory_space<hbm>>
      tpu.enqueue_dma source(%arg9 : memref<4096xf32, #tpu.memory_space<vmem>>) target(%dma_start3A_358 : memref<4096xf32, #tpu.memory_space<hbm>>) target_semaphore(%arg15 : memref<!tpu.dma_semaphore, #tpu.memory_space<semaphore_mem>>)
      %add3A_359 = arith.constant 1 : i32
      %add3A_360 = arith.addi %mul3A_199, %add3A_359 : i32
      %add3A_361 = arith.constant 1 : i32
      %add3A_362 = arith.addi %add3A_360, %add3A_361 : i32
      %lt3A_363 = arith.constant 52 : i32
      %lt3A_364 = arith.cmpi slt, %add3A_362, %lt3A_363 : i32
      %convert_element_type3A_365 = arith.extui %lt3A_364 : i1 to i32
      %cond3A_366 = arith.constant 0 : i32
      %cond3A_367 = arith.cmpi ne, %convert_element_type3A_365, %cond3A_366 : i32
      scf.if %cond3A_367 {
        %add3A_368 = arith.constant 1 : i32
        %add3A_369 = arith.addi %add3A_283, %add3A_368 : i32
        %jit3A_370 = arith.constant 64 : i32
        %div3A_371 = arith.divsi %add3A_369, %jit3A_370 : i32
        %sign3A_372 = arith.constant 0 : i32
        %sign3A_373 = arith.cmpi sgt, %add3A_369, %sign3A_372 : i32
        %sign3A_374 = arith.extui %sign3A_373 : i1 to i32
        %sign3A_375 = arith.constant 0 : i32
        %sign3A_376 = arith.cmpi slt, %add3A_369, %sign3A_375 : i32
        %sign3A_377 = arith.extui %sign3A_376 : i1 to i32
        %sign3A_378 = arith.subi %sign3A_374, %sign3A_377 : i32
        %sign3A_379 = arith.constant 0 : i32
        %sign3A_380 = arith.cmpi sgt, %jit3A_370, %sign3A_379 : i32
        %sign3A_381 = arith.extui %sign3A_380 : i1 to i32
        %sign3A_382 = arith.constant 0 : i32
        %sign3A_383 = arith.cmpi slt, %jit3A_370, %sign3A_382 : i32
        %sign3A_384 = arith.extui %sign3A_383 : i1 to i32
        %sign3A_385 = arith.subi %sign3A_381, %sign3A_384 : i32
        %ne3A_386 = arith.cmpi ne, %sign3A_378, %sign3A_385 : i32
        %rem3A_387 = arith.remsi %add3A_369, %jit3A_370 : i32
        %ne3A_388 = arith.constant 0 : i32
        %ne3A_389 = arith.cmpi ne, %rem3A_387, %ne3A_388 : i32
        %and3A_390 = arith.andi %ne3A_386, %ne3A_389 : i1
        %sub3A_391 = arith.constant 1 : i32
        %sub3A_392 = arith.subi %div3A_371, %sub3A_391 : i32
        %select_n3A_393 = arith.select %and3A_390, %sub3A_392, %div3A_371 : i32
        %jit3A_394 = arith.constant 64 : i32
        %eq3A_395 = arith.constant 0 : i32
        %eq3A_396 = arith.cmpi eq, %jit3A_394, %eq3A_395 : i32
        %jit3A_397 = arith.constant 1 : i32
        %select_n3A_398 = arith.select %eq3A_396, %jit3A_397, %jit3A_394 : i32
        %rem3A_399 = arith.remsi %add3A_369, %select_n3A_398 : i32
        %ne3A_400 = arith.constant 0 : i32
        %ne3A_401 = arith.cmpi ne, %rem3A_399, %ne3A_400 : i32
        %lt3A_402 = arith.constant 0 : i32
        %lt3A_403 = arith.cmpi slt, %rem3A_399, %lt3A_402 : i32
        %lt3A_404 = arith.constant 0 : i32
        %lt3A_405 = arith.cmpi slt, %select_n3A_398, %lt3A_404 : i32
        %ne3A_406 = arith.xori %lt3A_403, %lt3A_405 : i1
        %and3A_407 = arith.andi %ne3A_406, %ne3A_401 : i1
        %add3A_408 = arith.addi %rem3A_399, %select_n3A_398 : i32
        %select_n3A_409 = arith.select %and3A_407, %add3A_408, %rem3A_399 : i32
        %dma_start3A_410 = arith.constant 0 : i32
        %dma_start3A_411 = tpu.memref_slice %arg2[%select_n3A_393, %select_n3A_409, %dma_start3A_410] : memref<26x64x100000xf32, #tpu.memory_space<hbm>> -> memref<1x1x100000xf32, #tpu.memory_space<hbm>>
        %dma_start3A_412 = tpu.memref_squeeze %dma_start3A_411 : memref<1x1x100000xf32, #tpu.memory_space<hbm>> -> memref<100000xf32, #tpu.memory_space<hbm>>
        %dma_start3A_413 = arith.constant 0 : i32
        %dma_start3A_414 = tpu.memref_slice %arg2[%select_n3A_393, %select_n3A_409, %dma_start3A_413] : memref<26x64x100000xf32, #tpu.memory_space<hbm>> -> memref<1x1x100000xf32, #tpu.memory_space<hbm>>
        %dma_start3A_415 = tpu.memref_squeeze %dma_start3A_414 : memref<1x1x100000xf32, #tpu.memory_space<hbm>> -> memref<100000xf32, #tpu.memory_space<hbm>>
        tpu.enqueue_dma source(%dma_start3A_415 : memref<100000xf32, #tpu.memory_space<hbm>>) target(%arg6 : memref<100000xf32, #tpu.memory_space<vmem>>) target_semaphore(%arg12 : memref<!tpu.dma_semaphore, #tpu.memory_space<semaphore_mem>>)
      } else {
      }
    }
    %scan3A_92 = arith.constant 26 : i32
    %add3A_93 = arith.constant 52 : i32
    %add3A_94 = arith.addi %mul3A_2, %add3A_93 : i32
    %sub3A_95 = arith.constant 2 : i32
    %sub3A_96 = arith.subi %add3A_94, %sub3A_95 : i32
    %add3A_97 = arith.constant 0 : i32
    %add3A_98 = arith.addi %sub3A_96, %add3A_97 : i32
    %jit3A_99 = arith.constant 64 : i32
    %div3A_100 = arith.divsi %add3A_98, %jit3A_99 : i32
    %sign3A_101 = arith.constant 0 : i32
    %sign3A_102 = arith.cmpi sgt, %add3A_98, %sign3A_101 : i32
    %sign3A_103 = arith.extui %sign3A_102 : i1 to i32
    %sign3A_104 = arith.constant 0 : i32
    %sign3A_105 = arith.cmpi slt, %add3A_98, %sign3A_104 : i32
    %sign3A_106 = arith.extui %sign3A_105 : i1 to i32
    %sign3A_107 = arith.subi %sign3A_103, %sign3A_106 : i32
    %sign3A_108 = arith.constant 0 : i32
    %sign3A_109 = arith.cmpi sgt, %jit3A_99, %sign3A_108 : i32
    %sign3A_110 = arith.extui %sign3A_109 : i1 to i32
    %sign3A_111 = arith.constant 0 : i32
    %sign3A_112 = arith.cmpi slt, %jit3A_99, %sign3A_111 : i32
    %sign3A_113 = arith.extui %sign3A_112 : i1 to i32
    %sign3A_114 = arith.subi %sign3A_110, %sign3A_113 : i32
    %ne3A_115 = arith.cmpi ne, %sign3A_107, %sign3A_114 : i32
    %rem3A_116 = arith.remsi %add3A_98, %jit3A_99 : i32
    %ne3A_117 = arith.constant 0 : i32
    %ne3A_118 = arith.cmpi ne, %rem3A_116, %ne3A_117 : i32
    %and3A_119 = arith.andi %ne3A_115, %ne3A_118 : i1
    %sub3A_120 = arith.constant 1 : i32
    %sub3A_121 = arith.subi %div3A_100, %sub3A_120 : i32
    %select_n3A_122 = arith.select %and3A_119, %sub3A_121, %div3A_100 : i32
    %jit3A_123 = arith.constant 64 : i32
    %eq3A_124 = arith.constant 0 : i32
    %eq3A_125 = arith.cmpi eq, %jit3A_123, %eq3A_124 : i32
    %jit3A_126 = arith.constant 1 : i32
    %select_n3A_127 = arith.select %eq3A_125, %jit3A_126, %jit3A_123 : i32
    %rem3A_128 = arith.remsi %add3A_98, %select_n3A_127 : i32
    %ne3A_129 = arith.constant 0 : i32
    %ne3A_130 = arith.cmpi ne, %rem3A_128, %ne3A_129 : i32
    %lt3A_131 = arith.constant 0 : i32
    %lt3A_132 = arith.cmpi slt, %rem3A_128, %lt3A_131 : i32
    %lt3A_133 = arith.constant 0 : i32
    %lt3A_134 = arith.cmpi slt, %select_n3A_127, %lt3A_133 : i32
    %ne3A_135 = arith.xori %lt3A_132, %lt3A_134 : i1
    %and3A_136 = arith.andi %ne3A_135, %ne3A_130 : i1
    %add3A_137 = arith.addi %rem3A_128, %select_n3A_127 : i32
    %select_n3A_138 = arith.select %and3A_136, %add3A_137, %rem3A_128 : i32
    %dma_wait3A_139 = arith.constant 0 : i32
    %dma_wait3A_140 = tpu.memref_slice %arg5[%select_n3A_122, %select_n3A_138, %dma_wait3A_139] : memref<26x64x4096xf32, #tpu.memory_space<hbm>> -> memref<1x1x4096xf32, #tpu.memory_space<hbm>>
    %dma_wait3A_141 = tpu.memref_squeeze %dma_wait3A_140 : memref<1x1x4096xf32, #tpu.memory_space<hbm>> -> memref<4096xf32, #tpu.memory_space<hbm>>
    %dma_wait3A_142 = arith.constant 0 : i32
    %dma_wait3A_143 = tpu.memref_slice %arg5[%select_n3A_122, %select_n3A_138, %dma_wait3A_142] : memref<26x64x4096xf32, #tpu.memory_space<hbm>> -> memref<1x1x4096xf32, #tpu.memory_space<hbm>>
    %dma_wait3A_144 = tpu.memref_squeeze %dma_wait3A_143 : memref<1x1x4096xf32, #tpu.memory_space<hbm>> -> memref<4096xf32, #tpu.memory_space<hbm>>
    tpu.wait_dma2 semaphore(%arg14 : memref<!tpu.dma_semaphore, #tpu.memory_space<semaphore_mem>>) src(%arg8 : memref<4096xf32, #tpu.memory_space<vmem>>) dst(%dma_wait3A_144 : memref<4096xf32, #tpu.memory_space<hbm>>)
    %add3A_145 = arith.constant 52 : i32
    %add3A_146 = arith.addi %mul3A_2, %add3A_145 : i32
    %sub3A_147 = arith.constant 2 : i32
    %sub3A_148 = arith.subi %add3A_146, %sub3A_147 : i32
    %add3A_149 = arith.constant 1 : i32
    %add3A_150 = arith.addi %sub3A_148, %add3A_149 : i32
    %jit3A_151 = arith.constant 64 : i32
    %div3A_152 = arith.divsi %add3A_150, %jit3A_151 : i32
    %sign3A_153 = arith.constant 0 : i32
    %sign3A_154 = arith.cmpi sgt, %add3A_150, %sign3A_153 : i32
    %sign3A_155 = arith.extui %sign3A_154 : i1 to i32
    %sign3A_156 = arith.constant 0 : i32
    %sign3A_157 = arith.cmpi slt, %add3A_150, %sign3A_156 : i32
    %sign3A_158 = arith.extui %sign3A_157 : i1 to i32
    %sign3A_159 = arith.subi %sign3A_155, %sign3A_158 : i32
    %sign3A_160 = arith.constant 0 : i32
    %sign3A_161 = arith.cmpi sgt, %jit3A_151, %sign3A_160 : i32
    %sign3A_162 = arith.extui %sign3A_161 : i1 to i32
    %sign3A_163 = arith.constant 0 : i32
    %sign3A_164 = arith.cmpi slt, %jit3A_151, %sign3A_163 : i32
    %sign3A_165 = arith.extui %sign3A_164 : i1 to i32
    %sign3A_166 = arith.subi %sign3A_162, %sign3A_165 : i32
    %ne3A_167 = arith.cmpi ne, %sign3A_159, %sign3A_166 : i32
    %rem3A_168 = arith.remsi %add3A_150, %jit3A_151 : i32
    %ne3A_169 = arith.constant 0 : i32
    %ne3A_170 = arith.cmpi ne, %rem3A_168, %ne3A_169 : i32
    %and3A_171 = arith.andi %ne3A_167, %ne3A_170 : i1
    %sub3A_172 = arith.constant 1 : i32
    %sub3A_173 = arith.subi %div3A_152, %sub3A_172 : i32
    %select_n3A_174 = arith.select %and3A_171, %sub3A_173, %div3A_152 : i32
    %jit3A_175 = arith.constant 64 : i32
    %eq3A_176 = arith.constant 0 : i32
    %eq3A_177 = arith.cmpi eq, %jit3A_175, %eq3A_176 : i32
    %jit3A_178 = arith.constant 1 : i32
    %select_n3A_179 = arith.select %eq3A_177, %jit3A_178, %jit3A_175 : i32
    %rem3A_180 = arith.remsi %add3A_150, %select_n3A_179 : i32
    %ne3A_181 = arith.constant 0 : i32
    %ne3A_182 = arith.cmpi ne, %rem3A_180, %ne3A_181 : i32
    %lt3A_183 = arith.constant 0 : i32
    %lt3A_184 = arith.cmpi slt, %rem3A_180, %lt3A_183 : i32
    %lt3A_185 = arith.constant 0 : i32
    %lt3A_186 = arith.cmpi slt, %select_n3A_179, %lt3A_185 : i32
    %ne3A_187 = arith.xori %lt3A_184, %lt3A_186 : i1
    %and3A_188 = arith.andi %ne3A_187, %ne3A_182 : i1
    %add3A_189 = arith.addi %rem3A_180, %select_n3A_179 : i32
    %select_n3A_190 = arith.select %and3A_188, %add3A_189, %rem3A_180 : i32
    %dma_wait3A_191 = arith.constant 0 : i32
    %dma_wait3A_192 = tpu.memref_slice %arg5[%select_n3A_174, %select_n3A_190, %dma_wait3A_191] : memref<26x64x4096xf32, #tpu.memory_space<hbm>> -> memref<1x1x4096xf32, #tpu.memory_space<hbm>>
    %dma_wait3A_193 = tpu.memref_squeeze %dma_wait3A_192 : memref<1x1x4096xf32, #tpu.memory_space<hbm>> -> memref<4096xf32, #tpu.memory_space<hbm>>
    %dma_wait3A_194 = arith.constant 0 : i32
    %dma_wait3A_195 = tpu.memref_slice %arg5[%select_n3A_174, %select_n3A_190, %dma_wait3A_194] : memref<26x64x4096xf32, #tpu.memory_space<hbm>> -> memref<1x1x4096xf32, #tpu.memory_space<hbm>>
    %dma_wait3A_196 = tpu.memref_squeeze %dma_wait3A_195 : memref<1x1x4096xf32, #tpu.memory_space<hbm>> -> memref<4096xf32, #tpu.memory_space<hbm>>
    tpu.wait_dma2 semaphore(%arg15 : memref<!tpu.dma_semaphore, #tpu.memory_space<semaphore_mem>>) src(%arg9 : memref<4096xf32, #tpu.memory_space<vmem>>) dst(%dma_wait3A_196 : memref<4096xf32, #tpu.memory_space<hbm>>)
    return
  }
}

</mosaic_0001>

<sc_bundles>
// kernel: kernel.3.cloned.1.call-start
scs
__scs_entry_jumppad:
0x0: {  	(pc) =	sbr.rel $0x88, $3  }
0x1: {  	(tag) =	ssettag $0x0;
	lr =	simm.s32 $0x1  }
0x2: {  	[smem:$0x3F9E] =	sst lr;
	_ =	strace $0xD0000000  }
0x3: {  	_ = 	snop  }
0x4: {  	_ = 	snop  }
0x5: {  	_ = 	snop  }
0x6: {  	_ = 	snop  }
0x7: {  	_ = 	snop  }
__scs_overlays_trampoline_lowered:
0x8: {  	[smem:$0x3FAD] =	sst s0  }
0x9: {  	[smem:$0x3FAE] =	sst s1  }
0xa: {  	[smem:$0x3FAF] =	sst s2  }
0xb: {  	[smem:$0x3FB0] =	sst s3  }
0xc: {  	[smem:$0x3FB1] =	sst s4  }
0xd: {  	[smem:$0x3FB2] =	sst s5  }
0xe: {  	[smem:$0x3FB3] =	sst s6  }
0xf: {  	[smem:$0x3FB4] =	sst s7  }
0x10: {  	[smem:$0x3FB5] =	sst s8  }
0x11: {  	[smem:$0x3FB6] =	sst s9;
	s0 =	simm.s32 @!p0 $0x0  }
0x12: {  	s1 =	sld [smem:$0x3F9C];
	s0 =	simm.s32 @p0 $0x1  }
0x13: {  	[smem:$0x3FB7] =	sst s0;
	s0 =	simm.s32 @!p1 $0x0  }
0x14: {  	s2 =	sld [smem:$0x3F9B];
	s0 =	simm.s32 @p1 $0x1  }
0x15: {  	[smem:$0x3FB8] =	sst s0;
	s0 =	simm.s32 @!p2 $0x0  }
0x16: {  	s3 =	sld [smem:$0x3FDB];
	s0 =	simm.s32 @p2 $0x1  }
0x17: {  	s4 =	simm.s32 $0x1BF5;
	[smem:$0x3FBA] =	sst s0  }
0x18: {  	s0 =	sld [smem:$0x3F9D];
	_ =	swait.ge [sflag:s4], $0x0  }
0x19: {  	s7 =	sld [smem:$0x3F9E]  }
0x1a: {  	s8 =	sadd.s32 $0xFFFFE003, lr  }
0x1b: {  	s9 =	sadd.s32 $0xFFFFFEF7, lr;
	s5 =	simm.s32 $0xFFFFFFFF;
	p2 =	slt.u32 s8, $0xFFFFF086  }
0x1c: {  	p1 =	slt.u32 s9, $0xF7A;
	s5 =	simm.s32 @!p2 $0x0  }
0x1d: {  	s5 =	simm.s32 @p1 $0x1;
	p0 =	seq.s32 s7, s2  }
0x1e: {  	s7 =	smul.u32 @!p0 $0xF7A, s2;
	p2 =	seq.s32 @!p0 s5, $0x0  }
0x1f: {  	s9 =	smul.u32 $0xF7A, s1;
	s8 =	simm.s32 @!p0 $0x1BF5;
	p2 =	por !p2, p0  }
0x20: {  	[sflag:s8] =	ssyncset.s32 @!p0 $0xFFFFF086;
	s6 =	sadd.s32 @!p0 s3, s7;
	s7 =	simm.s32 @!p0 $0x108  }
0x21: {  	s3 =	sadd.s32 s3, s9;
	s6 =	sadd.s32 @!p0 $0x88, s6;
	s7 =	simm.s32 @p2 $0x1082  }
0x22: {  	[simem:s7], [sflag:s8] =	dma.local @!p0 [hbm:s6], $0xF7A  }
0x23: {  	s9 =	sor.u32 $0xD0000000, s2;
	s6 =	simm.s32 $0x108;
	_ =	swait.ge @!p0 [sflag:s8], $0x0  }
0x24: {  	s3 =	sadd.s32 $0x88, s3;
	s6 =	simm.s32 @!p1 $0x1082;
	[sflag:s4] =	ssyncset.s32 $0xFFFFF086  }
0x25: {  	[simem:s6], [sflag:s4] =	dma.local [hbm:s3], $0xF7A  }
0x26: {  	[smem:$0x3F9E] =	sst s1;
	(tag) =	ssettag s2;
	_ =	strace s9  }
0x27: {  	s1 =	sld [smem:$0x3FAE]  }
0x28: {  	s2 =	sld [smem:$0x3FAF]  }
0x29: {  	s4 =	sld [smem:$0x3FB1]  }
0x2a: {  	p0 =	seq.s32 s5, $0x0;
	s5 =	sld [smem:$0x3FB2]  }
0x2b: {  	s6 =	sld [smem:$0x3FB3]  }
0x2c: {  	s7 =	sld [smem:$0x3FB4]  }
0x2d: {  	s3 =	simm.s32 $0x108;
	s8 =	sld [smem:$0x3FB5]  }
0x2e: {  	s3 =	simm.s32 @!p0 $0x1082;
	s9 =	sld [smem:$0x3FB6]  }
0x2f: {  	lr =	sadd.s32 s0, s3;
	s0 =	sld [smem:$0x3FAD]  }
0x30: {  	s3 =	sld [smem:$0x3FB0]  }
0x31: {  	[smem:$0x3FB9] =	sst s10  }
0x32: {  	s10 =	sld [smem:$0x3FB7];
	_ =	sdelay $0x3  }
0x33: {  	p0 =	seq.s32 s10, $0x1;
	s10 =	sld [smem:$0x3FB9];
	_ =	sdelay $0x3  }
0x34: {  	[smem:$0x3FB9] =	sst s10  }
0x35: {  	s10 =	sld [smem:$0x3FB8];
	_ =	sdelay $0x3  }
0x36: {  	p1 =	seq.s32 s10, $0x1;
	s10 =	sld [smem:$0x3FB9];
	_ =	sdelay $0x3  }
0x37: {  	[smem:$0x3FB9] =	sst s10  }
0x38: {  	s10 =	sld [smem:$0x3FBA]  }
0x39: {  	_ = 	snop;
	(pc) =	sbr.ind lr, $3  }
0x3a: {  	_ = 	snop  }
0x3b: {  	_ = 	snop  }
0x3c: {  	p2 =	seq.s32 s10, $0x1;
	s10 =	sld [smem:$0x3FB9]  }
0x3d: {  	_ =	shalt  }
0x3e: {  	_ =	shalt  }
0x3f: {  	_ =	shalt  }
0x40: {  	_ =	shalt  }
0x41: {  	_ =	shalt  }
0x42: {  	_ =	shalt  }
0x43: {  	_ =	shalt  }
0x44: {  	_ =	shalt  }
0x45: {  	_ =	shalt  }
0x46: {  	_ =	shalt  }
0x47: {  	_ =	shalt  }
0x48: {  	_ =	shalt  }
0x49: {  	_ =	shalt  }
0x4a: {  	_ =	shalt  }
0x4b: {  	_ =	shalt  }
0x4c: {  	_ =	shalt  }
0x4d: {  	_ =	shalt  }
0x4e: {  	_ =	shalt  }
0x4f: {  	_ =	shalt  }
0x50: {  	_ =	shalt  }
0x51: {  	_ =	shalt  }
0x52: {  	_ =	shalt  }
0x53: {  	_ =	shalt  }
0x54: {  	_ =	shalt  }
0x55: {  	_ =	shalt  }
0x56: {  	_ =	shalt  }
0x57: {  	_ =	shalt  }
0x58: {  	_ =	shalt  }
0x59: {  	_ =	shalt  }
0x5a: {  	_ =	shalt  }
0x5b: {  	_ =	shalt  }
0x5c: {  	_ =	shalt  }
0x5d: {  	_ =	shalt  }
0x5e: {  	_ =	shalt  }
0x5f: {  	_ =	shalt  }
0x60: {  	_ =	shalt  }
0x61: {  	_ =	shalt  }
0x62: {  	_ =	shalt  }
0x63: {  	_ =	shalt  }
0x64: {  	_ =	shalt  }
0x65: {  	_ =	shalt  }
0x66: {  	_ =	shalt  }
0x67: {  	_ =	shalt  }
0x68: {  	_ =	shalt  }
0x69: {  	_ =	shalt  }
0x6a: {  	_ =	shalt  }
0x6b: {  	_ =	shalt  }
0x6c: {  	_ =	shalt  }
0x6d: {  	_ =	shalt  }
0x6e: {  	_ =	shalt  }
0x6f: {  	_ =	shalt  }
0x70: {  	_ =	shalt  }
0x71: {  	_ =	shalt  }
0x72: {  	_ =	shalt  }
0x73: {  	_ =	shalt  }
0x74: {  	_ =	shalt  }
0x75: {  	_ =	shalt  }
0x76: {  	_ =	shalt  }
0x77: {  	_ =	shalt  }
0x78: {  	_ =	shalt  }
0x79: {  	_ =	shalt  }
0x7a: {  	_ =	shalt  }
0x7b: {  	_ =	shalt  }
0x7c: {  	_ =	shalt  }
0x7d: {  	_ =	shalt  }
0x7e: {  	_ =	shalt  }
0x7f: {  	_ =	shalt  }
0x80: {  	_ =	shalt  }
0x81: {  	_ =	shalt  }
0x82: {  	_ =	shalt  }
0x83: {  	_ =	shalt  }
0x84: {  	_ =	shalt  }
0x85: {  	_ =	shalt  }
0x86: {  	_ =	shalt  }
0x87: {  	_ =	shalt  }
.Lfunc_end0:
.L_simem_size_0:
called_computation_lowered:
.L_overlay_start_0:
0x88: {  	s2 =	sld [smem:$0x3FD9]  }
0x89: {  	s3 =	sld [smem:$0x3FFE];
	_ =	sdelay $0x1  }
0x8a: {  	s1 =	srdreg.scid  }
0x8b: {  	s0 =	sand.u32 $0x1, s1  }
0x8c: {  	s17 =	sshll.u32 s0, $0xA;
	s2 =	sadd.s32 s3, s2  }
0x8d: {  	s2 =	sadd.s32 s2, s17  }
0x8e: {  	[smem:$0x3FC5] =	sst s2  }
0x8f: {  	_ = 	snop  }
0x90: {  	s2 =	sld [smem:$0x3FC9]  }
0x91: {  	s18 =	sld [smem:$0x3FC8]  }
0x92: {  	s4 =	sld [smem:$0x3FD0];
	(tm) =	ssettm $0x1  }
0x93: {  	s5 =	sld [smem:$0x3FFB];
	_ =	sdelay $0x3  }
0x94: {  	_ =	strace s5  }
0x95: {  	s5 =	sld [smem:$0x3FFC];
	_ =	sdelay $0x3  }
0x96: {  	_ =	strace s5  }
0x97: {  	s5 =	sld [smem:$0x3FFD];
	_ =	sdelay $0x3  }
0x98: {  	_ =	strace s5  }
0x99: {  	_ =	strace $0x8FFFFFFF  }
0x9a: {  	s19 =	sld [smem:$0x3FDB];
	_ =	sdelay $0x1  }
0x9b: {  	s6 =	simm.s32 $_scs_section_size  }
0x9c: {  	s7 =	simm.s32 $_size__tile_overlayer_lowered;
	s8 =	simm.s32 $_tile_overlayer_lowered  }
0x9d: {  	s22 =	simm.s32 $0x1BFF;
	s21 =	sshll.u32 s8, $0x1;
	s5 =	sadd.s32 s6, s19  }
0x9e: {  	s9 =	simm.s32 $0x0;
	s20 =	sshll.u32 s7, $0x1;
	s7 =	sadd.s32 s21, s5  }
0x9f: {  	[timem:s9], [sflag:s22] =	dma.local [hbm:s7], s20  }
0xa0: {  	_ =	swait.ge [sflag:s22], s20  }
0xa1: {  	s6 =	ssub.s32 $0x0, s20;
	[sflag:s22] =	ssyncset.done $0x0  }
0xa2: {  	[sflag:s22] =	ssyncadd.s32 s6;
	_ =	sdelay $0x1  }
0xa3: {  	s23 =	simm.s32 $0x1B8B  }
0xa4: {  	_ =	swait.ge [sflag:s23], $0x1  }
0xa5: {  	[sflag:s23] =	ssyncset.done $0x0  }
0xa6: {  	s25 =	simm.s32 $0x1B8E;
	s24 =	sld [smem:$0x3FFE];
	[sflag:s23] =	ssyncadd.s32 $0xFFFFFFFF  }
0xa7: {  	s26 =	simm.s32 $execute0_lowered;
	[smem:$0x3FD2] =	sst s25  }
0xa8: {  	s7 =	sshll.u32 s26, $0x1;
	_ =	strace $0x80000046;
	[dreg:$0x1] =	wrdreg $0xFFFFFFFF  }
0xa9: {  	s28 =	simm.s32 $_size_execute0_lowered;
	s5 =	sadd.s32 s5, s7;
	[dreg:$0x0] =	wrdreg $0x0  }
0xaa: {  	s7 =	sshll.u32 s28, $0x1;
	[dreg:$0x2] =	wrdreg s5  }
0xab: {  	[dreg:$0x3] =	wrdreg s7  }
0xac: {  	[dreg:$0x4] =	wrdreg $0xC0  }
0xad: {  	_ =	task [dreg:s9], $0x5FFFF  }
0xae: {  	[dreg:$0x1] =	wrdreg $0xFFFFFFFF  }
0xaf: {  	[dreg:$0x0] =	wrdreg $0x60  }
0xb0: {  	[dreg:$0x2] =	wrdreg s18  }
0xb1: {  	[dreg:$0x3] =	wrdreg s2  }
0xb2: {  	[dreg:$0x4] =	wrdreg s24  }
0xb3: {  	[dreg:$0x5] =	wrdreg s4  }
0xb4: {  	[dreg:$0x6] =	wrdreg $0x9  }
0xb5: {  	_ =	task.clear_ibuf [dreg:s9], $0x7FFFF;
	_ =	strace $0x90000046  }
0xb6: {  	s29 =	simm.s32 $0x9;
	_ =	strace $0x80000048  }
0xb7: {  	_ =	swait.ge [sflag:s29], $0x1  }
0xb8: {  	[sflag:s29] =	ssyncadd.s32 $0xFFFFFFFF  }
0xb9: {  	_ =	strace $0x90000048  }
0xba: {  	_ =	sfence  }
0xbb: {  	s30 =	sld [smem:$0x0];
	_ =	sdelay $0x2  }
0xbc: {  	s31 =	sshll.u32 s1, $0xD;
	s1 =	sshrl.u32 s1, $0x2  }
0xbd: {  	s3 =	sand.u32 $0x4000, s31;
	s1 =	sadd.s32 s1, s30  }
0xbe: {  	s0 =	sor.u32 s3, s0;
	s1 =	sshll.u32 s1, $0x11  }
0xbf: {  	s0 =	sor.u32 s1, s0  }
0xc0: {  	s0 =	sadd.s32 $0x8F2B, s0  }
0xc1: {  	[sflag:s0] =	ssyncadd.remote.s32 $0x1  }
0xc2: {  	_ =	sfence.sel $0xFFFF  }
0xc3: {  	[dreg:$0x0] =	wrdreg $0xFFFFFFFF;
	(pc) =	sbr.abs _section_cstart, $3  }
0xc4: {  	[dreg:$0x1] =	wrdreg $0xFFFFFFFF  }
0xc5: {  	_ =	task.clear_ibuf [dreg:s9], $0x2FFFF;
	_ =	strace $0x9FFFFFFF  }
0xc6: {  	(tm) =	ssettm $0x7FFFFFFF  }
0xc7: {  	_ =	shalt  }
tec
execute0_lowered:
.L_overlay_start_1:
0x0: {  	(tag) =	ssettag $0x1  }
0x1: {  	s1 =	rddreg [dreg:$0x0]  }
0x2: {  	s2 =	rddreg [dreg:$0x1]  }
0x3: {  	s7 =	rddreg [dreg:$0x2];
	s3 =	srdreg.scid  }
0x4: {  	s0 =	stileid.u32;
	s4 =	rddreg [dreg:$0x3]  }
0x5: {  	s5 =	simm.s32 $0x0;
	s14 =	simm.s32 $0x18700;
	s15 =	simm.s32 $0x1  }
0x6: {  	s16 =	simm.s32 $0x1B700;
	s17 =	simm.s32 $0x2;
	s18 =	simm.s32 $0x19700  }
0x7: {  	s19 =	simm.s32 $0x1A700;
	s20 =	simm.s32 $0x3;
	s21 =	simm.s32 $0x4  }
0x8: {  	s22 =	simm.s32 $0x0;
	s8 =	sand.u32 $0x1, s3;
	s6 =	sshll.u32 s0, $0x1  }
0x9: {  	s3 =	rddreg [dreg:$0x4];
	s6 =	sor.u32 s8, s6;
	s8 =	ssub.s32 $0x2, s8  }
0xa: {  	[smem:$0x7FF] =	sst s5;
	s6 =	smul.u32 $0x34, s6;
	s11 =	sshrl.u32 s8, $0x1  }
0xb: {  	s7 =	sadd.s32 $0x400, s7;
	_ =	strace $0x80000047;
	s11 =	ssub.s32 s8, s11  }
0xc: {  	s9 =	sshrl.u32 s6, $0x6;
	s10 =	sand.u32 $0x38, s6;
	s12 =	sshll.u32 s6, $0x3  }
0xd: {  	s24 =	sshll.u32 s6, $0x7;
	s9 =	smul.u32 $0x61C000, s9;
	s10 =	sshrl.u32 s10, $0x3  }
0xe: {  	s13 =	sshrl.u32 s6, $0x2;
	s28 =	sshll.u32 s6, $0x4;
	s10 =	smul.u32 $0xC3800, s10  }
.Ltmp0:
0xf: {  	s11 =	smax.u32 s11, $0x1;
	s23 =	sand.u32 $0x3000, s12;
	(pc) =	sbr.rel .LBB2_1-.Ltmp0, $4  }
0x10: {  	s25 =	sand.u32 $0x200, s24;
	s26 =	sand.u32 $0x70, s13;
	s9 =	sadd.s32 s9, s10  }
0x11: {  	s30 =	sand.u32 $0x7C00, s28;
	s12 =	simm.s32 $0x80;
	s9 =	sor.u32 s25, s9  }
0x12: {  	s13 =	simm.s32 $0x400;
	s29 =	sadd.s32 s2, s26;
	s31 =	sshrl.u32 s9, $0x3  }
0x13: {  	s8 =	sadd.s32 s23, s29;
	s9 =	sadd.s32 s7, s30;
	s10 =	sadd.s32 s1, s31  }
.LBB2_8:
0x14: {  	s22 =	sadd.s32 $0x1, s22  }
0x15: {  	_ =	swait.ge [sflag:s20], $0x1000;
	p0 =	sne.s32 s22, s11  }
.Ltmp1:
0x16: {  	[sflag:s20] =	ssyncset.done $0x0;
	(pc) =	sbr.rel @!p0 .LBB2_9-.Ltmp1, $4  }
0x17: {  	[sflag:s20] =	ssyncadd.s32 $0xFFFFF000  }
0x18: {  	_ =	swait.ge [sflag:s21], $0x1000  }
0x19: {  	[sflag:s21] =	ssyncset.done $0x0  }
0x1a: {  	[sflag:s21] =	ssyncadd.s32 $0xFFFFF000  }
.LBB2_1:
0x1b: {  	[tilespmem:s14], [sflag:$0x1] =	stream.strided.gather [hbm4b:s8+s12], $0x1000, s13, s12, $0x38;
	[tilespmem:$0x1D700] =	vst v63  }
0x1c: {  	_ =	swait.ge [sflag:s15], $0x1000  }
0x1d: {  	[sflag:s15] =	ssyncset.done $0x0  }
0x1e: {  	[sflag:s15] =	ssyncadd.s32 $0xFFFFF000  }
0x1f: {  	[tilespmem:s16], [sflag:$0x1] =	stream.linear.gather [hbm4b:s9+s5], $0x2000, $0x38;
	[tilespmem:$0x1D700] =	vst v63  }
0x20: {  	_ =	swait.ge [sflag:s15], $0x2000  }
0x21: {  	[sflag:s15] =	ssyncset.done $0x0  }
0x22: {  	s23 =	simm.s32 $0x0;
	[sflag:s15] =	ssyncadd.s32 $0xFFFFE000  }
0x23: {  	[tilespmem:s5], [sflag:$0x2] =	stream.strided.gather [hbm4b:s10+s12], $0x18700, s13, s12, $0x38;
	[tilespmem:$0x1D700] =	vst v63  }
.LBB2_2:
0x24: {  	s24 =	sshll.u32 s23, $0x1  }
0x25: {  	s24 =	sadd.s32 s6, s24  }
0x26: {  	p0 =	seq.s32 s23, $0x0;
	s29 =	sand.u32 $0x3E, s24  }
0x27: {  	p1 =	sne.s32 @!p0 s29, $0x0  }
0x28: {  	s25 =	sshrl.u32 s24, $0x6;
	p1 =	por p1, p0  }
0x29: {  	s26 =	sshll.u32 @!p1 s25, $0x4  }
0x2a: {  	s28 =	sshll.u32 @!p1 s25, $0x9;
	s26 =	sand.u32 @!p1 $0x70, s26  }
0x2b: {  	s30 =	simm.s32 @!p1 $0x400;
	s28 =	sand.u32 @!p1 $0xFFFF000, s28;
	s26 =	sadd.s32 @!p1 s2, s26  }
0x2c: {  	s31 =	simm.s32 @!p1 $0x18700;
	s26 =	sadd.s32 @!p1 s28, s26;
	s28 =	simm.s32 @!p1 $0x80  }
0x2d: {  	[tilespmem:s31], [sflag:$0x1] =	stream.strided.gather @!p1 [hbm4b:s26+s28], $0x1000, s30, s28, $0x38;
	[tilespmem:$0x1D700] =	vst v63  }
0x2e: {  	s28 =	simm.s32 @!p1 $0x1  }
0x2f: {  	s26 =	sshll.u32 @!p1 s25, $0xA;
	_ =	swait.ge @!p1 [sflag:s28], $0x1000  }
0x30: {  	s30 =	simm.s32 @!p1 $0x0;
	s26 =	sand.u32 @!p1 $0x1FFFFC00, s26;
	[sflag:s28] =	ssyncset.done @!p1 $0x0  }
0x31: {  	s31 =	simm.s32 @!p1 $0x1B700;
	s26 =	sadd.s32 @!p1 s7, s26;
	[sflag:s28] =	ssyncadd.s32 @!p1 $0xFFFFF000  }
0x32: {  	[tilespmem:s31], [sflag:$0x1] =	stream.linear.gather @!p1 [hbm4b:s26+s30], $0x2000, $0x38;
	[tilespmem:$0x1D700] =	vst v63  }
0x33: {  	_ =	swait.ge @!p1 [sflag:s28], $0x2000  }
0x34: {  	s26 =	sshll.u32 s29, $0x9;
	[sflag:s28] =	ssyncset.done @!p1 $0x0  }
0x35: {  	[sflag:s28] =	ssyncadd.s32 @!p1 $0xFFFFE000;
	s28 =	sshrl.u32 s26, $0x2  }
0x36: {  	v0 =	vld [tilespmem:s28+$0x1B700];
	_ =	swait.ge [sflag:s17], $0x18700  }
0x37: {  	[sflag:s17] =	ssyncset.done $0x0  }
0x38: {  	s28 =	simm.s32 @!p0 $0x3;
	[sflag:s17] =	ssyncadd.s32 $0xFFFE7900  }
0x39: {  	_ =	swait.ge @!p0 [sflag:s28], $0x1000  }
0x3a: {  	[sflag:s28] =	ssyncset.done @!p0 $0x0  }
0x3b: {  	[sflag:s28] =	ssyncadd.s32 @!p0 $0xFFFFF000;
	s28 =	simm.s32 $0x18780  }
0x3c: {  	v1 =	vld [tilespmem:s28+$0x70]  }
0x3d: {  	v2 =	vld [tilespmem:s28+$0xFFFFFF90]  }
0x3e: {  	v3 =	vld [tilespmem:s28+$0xFFFFFFA0]  }
0x3f: {  	v4 =	vld [tilespmem:s28+$0xFFFFFFB0]  }
0x40: {  	v5 =	vld [tilespmem:s28+$0xFFFFFFC0]  }
0x41: {  	v6 =	vld [tilespmem:s28+$0xFFFFFFD0]  }
0x42: {  	v7 =	vld [tilespmem:s28+$0xFFFFFFE0]  }
0x43: {  	v8 =	vld [tilespmem:s28+$0xFFFFFFF0]  }
0x44: {  	v9 =	vld [tilespmem:s28+$0x0]  }
0x45: {  	v10 =	vld [tilespmem:s28+$0x10]  }
0x46: {  	v11 =	vld [tilespmem:s28+$0x20]  }
0x47: {  	v12 =	vld [tilespmem:s28+$0x30]  }
0x48: {  	v13 =	vld [tilespmem:s28+$0x40]  }
0x49: {  	v14 =	vld [tilespmem:s28+$0x50]  }
0x4a: {  	v15 =	vld [tilespmem:s28+$0x60]  }
0x4b: {  	v16 =	vld [tilespmem:s28+$0xFFFFFF80]  }
0x4c: {  	v1 =	vld.idx.msk [tilespmem:v1+s5+$0x0], $0xffff  }
0x4d: {  	v2 =	vld.idx.msk [tilespmem:v2+s5+$0x0], $0xffff  }
0x4e: {  	v3 =	vld.idx.msk [tilespmem:v3+s5+$0x0], $0xffff  }
0x4f: {  	v4 =	vld.idx.msk [tilespmem:v4+s5+$0x0], $0xffff  }
0x50: {  	v5 =	vld.idx.msk [tilespmem:v5+s5+$0x0], $0xffff  }
0x51: {  	v6 =	vld.idx.msk [tilespmem:v6+s5+$0x0], $0xffff  }
0x52: {  	v7 =	vld.idx.msk [tilespmem:v7+s5+$0x0], $0xffff;
	v1 =	vadd.f32 v1, v0  }
0x53: {  	s28 =	simm.s32 $0x19780;
	v8 =	vld.idx.msk [tilespmem:v8+s5+$0x0], $0xffff;
	v2 =	vadd.f32 v2, v0  }
0x54: {  	v16 =	vld.idx.msk [tilespmem:v16+s5+$0x0], $0xffff;
	[tilespmem:s28+$0x70] =	vst v1;
	v1 =	vadd.f32 v3, v0  }
0x55: {  	v9 =	vld.idx.msk [tilespmem:v9+s5+$0x0], $0xffff;
	[tilespmem:s28+$0xFFFFFF90] =	vst v2;
	v2 =	vadd.f32 v4, v0  }
0x56: {  	v3 =	vadd.f32 v5, v0;
	[tilespmem:s28+$0xFFFFFFA0] =	vst v1;
	v1 =	vld.idx.msk [tilespmem:v10+s5+$0x0], $0xffff  }
0x57: {  	v4 =	vadd.f32 v6, v0;
	[tilespmem:s28+$0xFFFFFFB0] =	vst v2;
	v2 =	vld.idx.msk [tilespmem:v11+s5+$0x0], $0xffff  }
0x58: {  	v5 =	vadd.f32 v7, v0;
	[tilespmem:s28+$0xFFFFFFC0] =	vst v3;
	v3 =	vld.idx.msk [tilespmem:v12+s5+$0x0], $0xffff  }
0x59: {  	v6 =	vadd.f32 v8, v0;
	[tilespmem:s28+$0xFFFFFFD0] =	vst v4;
	v4 =	vld.idx.msk [tilespmem:v13+s5+$0x0], $0xffff  }
0x5a: {  	s29 =	sshll.u32 s29, $0x4;
	v7 =	vadd.f32 v16, v0;
	[tilespmem:s28+$0xFFFFFFE0] =	vst v5;
	v5 =	vld.idx.msk [tilespmem:v14+s5+$0x0], $0xffff  }
0x5b: {  	s30 =	simm.s32 $0x0;
	s31 =	simm.s32 $0x18880;
	s29 =	sand.u32 $0x60, s29;
	v8 =	vadd.f32 v9, v0;
	[tilespmem:s28+$0xFFFFFFF0] =	vst v6;
	v6 =	vld.idx.msk [tilespmem:v15+s5+$0x0], $0xffff  }
.LBB2_3:
0x5c: {  	v9 =	vld [tilespmem:s31+$0x70];
	s30 =	sadd.s32 $0x10, s30;
	[tilespmem:s28+$0xFFFFFF80] =	vst v7;
	v1 =	vadd.f32 v1, v0  }
0x5d: {  	v2 =	vadd.f32 v2, v0;
	v7 =	vld [tilespmem:s31+$0xFFFFFF90];
	p1 =	slt.u32 s30, $0xF0;
	[tilespmem:s28+$0x0] =	vst v8  }
0x5e: {  	v8 =	vld [tilespmem:s31+$0xFFFFFFA0];
	[tilespmem:s28+$0x10] =	vst v1;
	v1 =	vadd.f32 v3, v0  }
0x5f: {  	v3 =	vld [tilespmem:s31+$0xFFFFFFB0];
	[tilespmem:s28+$0x20] =	vst v2;
	v2 =	vadd.f32 v4, v0  }
0x60: {  	v4 =	vld [tilespmem:s31+$0xFFFFFFC0];
	[tilespmem:s28+$0x30] =	vst v1;
	v1 =	vadd.f32 v5, v0  }
0x61: {  	v5 =	vld [tilespmem:s31+$0xFFFFFFD0];
	[tilespmem:s28+$0x40] =	vst v2;
	v2 =	vadd.f32 v6, v0  }
0x62: {  	v6 =	vld [tilespmem:s31+$0xFFFFFFE0];
	[tilespmem:s28+$0x50] =	vst v1  }
0x63: {  	v1 =	vld [tilespmem:s31+$0xFFFFFFF0];
	[tilespmem:s28+$0x60] =	vst v2  }
0x64: {  	v2 =	vld.idx.msk [tilespmem:v9+s5+$0x0], $0xffff  }
0x65: {  	v9 =	vld [tilespmem:s31+$0x0]  }
0x66: {  	v10 =	vld [tilespmem:s31+$0x10]  }
0x67: {  	v11 =	vld [tilespmem:s31+$0x20]  }
0x68: {  	v12 =	vld [tilespmem:s31+$0x30]  }
0x69: {  	v13 =	vld [tilespmem:s31+$0x40]  }
0x6a: {  	v2 =	vadd.f32 v2, v0;
	v14 =	vld [tilespmem:s31+$0x50]  }
0x6b: {  	s28 =	sadd.s32 $0x100, s28;
	v15 =	vld [tilespmem:s31+$0x60]  }
0x6c: {  	v16 =	vld [tilespmem:s31+$0xFFFFFF80];
	[tilespmem:s28+$0x70] =	vst v2  }
0x6d: {  	v2 =	vld.idx.msk [tilespmem:v7+s5+$0x0], $0xffff  }
0x6e: {  	v7 =	vld.idx.msk [tilespmem:v8+s5+$0x0], $0xffff  }
0x6f: {  	v3 =	vld.idx.msk [tilespmem:v3+s5+$0x0], $0xffff  }
0x70: {  	v4 =	vld.idx.msk [tilespmem:v4+s5+$0x0], $0xffff  }
0x71: {  	v5 =	vld.idx.msk [tilespmem:v5+s5+$0x0], $0xffff  }
0x72: {  	v6 =	vld.idx.msk [tilespmem:v6+s5+$0x0], $0xffff  }
0x73: {  	v2 =	vadd.f32 v2, v0;
	v8 =	vld.idx.msk [tilespmem:v1+s5+$0x0], $0xffff  }
0x74: {  	v1 =	vadd.f32 v7, v0;
	v16 =	vld.idx.msk [tilespmem:v16+s5+$0x0], $0xffff  }
0x75: {  	[tilespmem:s28+$0xFFFFFF90] =	vst v2;
	v2 =	vadd.f32 v3, v0;
	v9 =	vld.idx.msk [tilespmem:v9+s5+$0x0], $0xffff  }
0x76: {  	v3 =	vadd.f32 v4, v0;
	[tilespmem:s28+$0xFFFFFFA0] =	vst v1;
	v1 =	vld.idx.msk [tilespmem:v10+s5+$0x0], $0xffff  }
.Ltmp2:
0x77: {  	v4 =	vadd.f32 v5, v0;
	[tilespmem:s28+$0xFFFFFFB0] =	vst v2;
	v2 =	vld.idx.msk [tilespmem:v11+s5+$0x0], $0xffff;
	(pc) =	sbr.rel @p1 .LBB2_3-.Ltmp2, $4  }
0x78: {  	v5 =	vadd.f32 v6, v0;
	[tilespmem:s28+$0xFFFFFFC0] =	vst v3;
	v3 =	vld.idx.msk [tilespmem:v12+s5+$0x0], $0xffff  }
0x79: {  	v6 =	vadd.f32 v8, v0;
	[tilespmem:s28+$0xFFFFFFD0] =	vst v4;
	v4 =	vld.idx.msk [tilespmem:v13+s5+$0x0], $0xffff  }
0x7a: {  	v7 =	vadd.f32 v16, v0;
	[tilespmem:s28+$0xFFFFFFE0] =	vst v5;
	v5 =	vld.idx.msk [tilespmem:v14+s5+$0x0], $0xffff  }
0x7b: {  	s31 =	sadd.s32 $0x100, s31;
	v8 =	vadd.f32 v9, v0;
	[tilespmem:s28+$0xFFFFFFF0] =	vst v6;
	v6 =	vld.idx.msk [tilespmem:v15+s5+$0x0], $0xffff  }
0x7c: {  	[tilespmem:s28+$0xFFFFFF80] =	vst v7;
	v1 =	vadd.f32 v1, v0  }
0x7d: {  	v2 =	vadd.f32 v2, v0;
	[tilespmem:s28+$0x0] =	vst v8  }
0x7e: {  	[tilespmem:s28+$0x10] =	vst v1;
	v1 =	vadd.f32 v3, v0  }
0x7f: {  	[tilespmem:s28+$0x20] =	vst v2;
	v2 =	vadd.f32 v4, v0  }
0x80: {  	s30 =	sshll.u32 s25, $0xF;
	[tilespmem:s28+$0x30] =	vst v1;
	v1 =	vadd.f32 v5, v0  }
0x81: {  	s26 =	sand.u32 $0x7000, s26;
	s30 =	sadd.s32 s4, s30;
	[tilespmem:s28+$0x40] =	vst v2;
	v0 =	vadd.f32 v6, v0  }
0x82: {  	s26 =	sadd.s32 s26, s30;
	[tilespmem:s28+$0x50] =	vst v1  }
0x83: {  	s26 =	sadd.s32 s29, s26;
	[tilespmem:s28+$0x60] =	vst v0  }
0x84: {  	[hbm4b:s26+s12] =	stream.strided.scatter [tilespmem:s18], [sflag:$0x3], $0x1000, s13, s12, $0x38;
	[tilespmem:$0x1D700] =	vst v63  }
0x85: {  	s26 =	sshrl.u32 s24, $0x3  }
0x86: {  	s31 =	smul.u32 $0x61C000, s25;
	s26 =	sand.u32 $0x7, s26  }
0x87: {  	s26 =	smul.u32 $0xC3800, s26  }
0x88: {  	s28 =	sshll.u32 s24, $0x7  }
0x89: {  	s25 =	sadd.s32 s31, s26;
	s31 =	sand.u32 $0x300, s28  }
0x8a: {  	s25 =	sor.u32 s25, s31  }
0x8b: {  	s25 =	sor.u32 $0x80, s25  }
0x8c: {  	s28 =	sor.u32 $0x1, s24;
	s25 =	sshrl.u32 s25, $0x3  }
0x8d: {  	s26 =	sshll.u32 s28, $0x7;
	s25 =	sadd.s32 s1, s25  }
0x8e: {  	[tilespmem:s5], [sflag:$0x2] =	stream.strided.gather [hbm4b:s25+s12], $0x18700, s13, s12, $0x38;
	[tilespmem:$0x1D700] =	vst v63  }
0x8f: {  	s25 =	sand.u32 $0x1F80, s26  }
0x90: {  	v0 =	vld [tilespmem:s25+$0x1B700];
	_ =	swait.ge [sflag:s17], $0x18700  }
0x91: {  	[sflag:s17] =	ssyncset.done $0x0  }
0x92: {  	s25 =	simm.s32 @!p0 $0x4;
	[sflag:s17] =	ssyncadd.s32 $0xFFFE7900  }
0x93: {  	_ =	swait.ge @!p0 [sflag:s25], $0x1000  }
0x94: {  	[sflag:s25] =	ssyncset.done @!p0 $0x0  }
0x95: {  	s31 =	simm.s32 $0x18780;
	[sflag:s25] =	ssyncadd.s32 @!p0 $0xFFFFF000  }
0x96: {  	v1 =	vld [tilespmem:s31+$0x70]  }
0x97: {  	v2 =	vld [tilespmem:s31+$0xFFFFFF90]  }
0x98: {  	v3 =	vld [tilespmem:s31+$0xFFFFFFA0]  }
0x99: {  	v4 =	vld [tilespmem:s31+$0xFFFFFFB0]  }
0x9a: {  	v5 =	vld [tilespmem:s31+$0xFFFFFFC0]  }
0x9b: {  	v6 =	vld [tilespmem:s31+$0xFFFFFFD0]  }
0x9c: {  	v7 =	vld [tilespmem:s31+$0xFFFFFFE0]  }
0x9d: {  	v8 =	vld [tilespmem:s31+$0xFFFFFFF0]  }
0x9e: {  	v9 =	vld [tilespmem:s31+$0x0]  }
0x9f: {  	v10 =	vld [tilespmem:s31+$0x10]  }
0xa0: {  	v11 =	vld [tilespmem:s31+$0x20]  }
0xa1: {  	v12 =	vld [tilespmem:s31+$0x30]  }
0xa2: {  	v13 =	vld [tilespmem:s31+$0x40]  }
0xa3: {  	v14 =	vld [tilespmem:s31+$0x50]  }
0xa4: {  	v15 =	vld [tilespmem:s31+$0x60]  }
0xa5: {  	v16 =	vld [tilespmem:s31+$0xFFFFFF80]  }
0xa6: {  	v1 =	vld.idx.msk [tilespmem:v1+s5+$0x0], $0xffff  }
0xa7: {  	v2 =	vld.idx.msk [tilespmem:v2+s5+$0x0], $0xffff  }
0xa8: {  	v3 =	vld.idx.msk [tilespmem:v3+s5+$0x0], $0xffff  }
0xa9: {  	v4 =	vld.idx.msk [tilespmem:v4+s5+$0x0], $0xffff  }
0xaa: {  	v5 =	vld.idx.msk [tilespmem:v5+s5+$0x0], $0xffff  }
0xab: {  	v6 =	vld.idx.msk [tilespmem:v6+s5+$0x0], $0xffff  }
0xac: {  	v7 =	vld.idx.msk [tilespmem:v7+s5+$0x0], $0xffff;
	v1 =	vadd.f32 v1, v0  }
0xad: {  	s25 =	simm.s32 $0x1A780;
	v8 =	vld.idx.msk [tilespmem:v8+s5+$0x0], $0xffff;
	v2 =	vadd.f32 v2, v0  }
0xae: {  	v16 =	vld.idx.msk [tilespmem:v16+s5+$0x0], $0xffff;
	[tilespmem:s25+$0x70] =	vst v1;
	v1 =	vadd.f32 v3, v0  }
0xaf: {  	v9 =	vld.idx.msk [tilespmem:v9+s5+$0x0], $0xffff;
	[tilespmem:s25+$0xFFFFFF90] =	vst v2;
	v2 =	vadd.f32 v4, v0  }
0xb0: {  	v3 =	vadd.f32 v5, v0;
	[tilespmem:s25+$0xFFFFFFA0] =	vst v1;
	v1 =	vld.idx.msk [tilespmem:v10+s5+$0x0], $0xffff  }
0xb1: {  	v4 =	vadd.f32 v6, v0;
	[tilespmem:s25+$0xFFFFFFB0] =	vst v2;
	v2 =	vld.idx.msk [tilespmem:v11+s5+$0x0], $0xffff  }
0xb2: {  	v5 =	vadd.f32 v7, v0;
	[tilespmem:s25+$0xFFFFFFC0] =	vst v3;
	v3 =	vld.idx.msk [tilespmem:v12+s5+$0x0], $0xffff  }
0xb3: {  	v6 =	vadd.f32 v8, v0;
	[tilespmem:s25+$0xFFFFFFD0] =	vst v4;
	v4 =	vld.idx.msk [tilespmem:v13+s5+$0x0], $0xffff  }
0xb4: {  	s26 =	sshll.u32 s28, $0x9;
	s28 =	sshll.u32 s28, $0x4;
	v7 =	vadd.f32 v16, v0;
	[tilespmem:s25+$0xFFFFFFE0] =	vst v5;
	v5 =	vld.idx.msk [tilespmem:v14+s5+$0x0], $0xffff  }
0xb5: {  	s30 =	simm.s32 $0x18880;
	s29 =	simm.s32 $0x0;
	s28 =	sand.u32 $0x70, s28;
	v8 =	vadd.f32 v9, v0;
	[tilespmem:s25+$0xFFFFFFF0] =	vst v6;
	v6 =	vld.idx.msk [tilespmem:v15+s5+$0x0], $0xffff  }
.LBB2_5:
0xb6: {  	v9 =	vld [tilespmem:s30+$0x70];
	s29 =	sadd.s32 $0x10, s29;
	[tilespmem:s25+$0xFFFFFF80] =	vst v7;
	v1 =	vadd.f32 v1, v0  }
0xb7: {  	v2 =	vadd.f32 v2, v0;
	v7 =	vld [tilespmem:s30+$0xFFFFFF90];
	p0 =	slt.u32 s29, $0xF0;
	[tilespmem:s25+$0x0] =	vst v8  }
0xb8: {  	v8 =	vld [tilespmem:s30+$0xFFFFFFA0];
	[tilespmem:s25+$0x10] =	vst v1;
	v1 =	vadd.f32 v3, v0  }
0xb9: {  	v3 =	vld [tilespmem:s30+$0xFFFFFFB0];
	[tilespmem:s25+$0x20] =	vst v2;
	v2 =	vadd.f32 v4, v0  }
0xba: {  	v4 =	vld [tilespmem:s30+$0xFFFFFFC0];
	[tilespmem:s25+$0x30] =	vst v1;
	v1 =	vadd.f32 v5, v0  }
0xbb: {  	v5 =	vld [tilespmem:s30+$0xFFFFFFD0];
	[tilespmem:s25+$0x40] =	vst v2;
	v2 =	vadd.f32 v6, v0  }
0xbc: {  	v6 =	vld [tilespmem:s30+$0xFFFFFFE0];
	[tilespmem:s25+$0x50] =	vst v1  }
0xbd: {  	v1 =	vld [tilespmem:s30+$0xFFFFFFF0];
	[tilespmem:s25+$0x60] =	vst v2  }
0xbe: {  	v2 =	vld.idx.msk [tilespmem:v9+s5+$0x0], $0xffff  }
0xbf: {  	v9 =	vld [tilespmem:s30+$0x0]  }
0xc0: {  	v10 =	vld [tilespmem:s30+$0x10]  }
0xc1: {  	v11 =	vld [tilespmem:s30+$0x20]  }
0xc2: {  	v12 =	vld [tilespmem:s30+$0x30]  }
0xc3: {  	v13 =	vld [tilespmem:s30+$0x40]  }
0xc4: {  	v2 =	vadd.f32 v2, v0;
	v14 =	vld [tilespmem:s30+$0x50]  }
0xc5: {  	s25 =	sadd.s32 $0x100, s25;
	v15 =	vld [tilespmem:s30+$0x60]  }
0xc6: {  	v16 =	vld [tilespmem:s30+$0xFFFFFF80];
	[tilespmem:s25+$0x70] =	vst v2  }
0xc7: {  	v2 =	vld.idx.msk [tilespmem:v7+s5+$0x0], $0xffff  }
0xc8: {  	v7 =	vld.idx.msk [tilespmem:v8+s5+$0x0], $0xffff  }
0xc9: {  	v3 =	vld.idx.msk [tilespmem:v3+s5+$0x0], $0xffff  }
0xca: {  	v4 =	vld.idx.msk [tilespmem:v4+s5+$0x0], $0xffff  }
0xcb: {  	v5 =	vld.idx.msk [tilespmem:v5+s5+$0x0], $0xffff  }
0xcc: {  	v6 =	vld.idx.msk [tilespmem:v6+s5+$0x0], $0xffff  }
0xcd: {  	v2 =	vadd.f32 v2, v0;
	v8 =	vld.idx.msk [tilespmem:v1+s5+$0x0], $0xffff  }
0xce: {  	v1 =	vadd.f32 v7, v0;
	v16 =	vld.idx.msk [tilespmem:v16+s5+$0x0], $0xffff  }
0xcf: {  	[tilespmem:s25+$0xFFFFFF90] =	vst v2;
	v2 =	vadd.f32 v3, v0;
	v9 =	vld.idx.msk [tilespmem:v9+s5+$0x0], $0xffff  }
0xd0: {  	v3 =	vadd.f32 v4, v0;
	[tilespmem:s25+$0xFFFFFFA0] =	vst v1;
	v1 =	vld.idx.msk [tilespmem:v10+s5+$0x0], $0xffff  }
.Ltmp3:
0xd1: {  	v4 =	vadd.f32 v5, v0;
	[tilespmem:s25+$0xFFFFFFB0] =	vst v2;
	v2 =	vld.idx.msk [tilespmem:v11+s5+$0x0], $0xffff;
	(pc) =	sbr.rel @p0 .LBB2_5-.Ltmp3, $4  }
0xd2: {  	v5 =	vadd.f32 v6, v0;
	[tilespmem:s25+$0xFFFFFFC0] =	vst v3;
	v3 =	vld.idx.msk [tilespmem:v12+s5+$0x0], $0xffff  }
0xd3: {  	v6 =	vadd.f32 v8, v0;
	[tilespmem:s25+$0xFFFFFFD0] =	vst v4;
	v4 =	vld.idx.msk [tilespmem:v13+s5+$0x0], $0xffff  }
0xd4: {  	v7 =	vadd.f32 v16, v0;
	[tilespmem:s25+$0xFFFFFFE0] =	vst v5;
	v5 =	vld.idx.msk [tilespmem:v14+s5+$0x0], $0xffff  }
0xd5: {  	s30 =	sadd.s32 $0x100, s30;
	v8 =	vadd.f32 v9, v0;
	[tilespmem:s25+$0xFFFFFFF0] =	vst v6;
	v6 =	vld.idx.msk [tilespmem:v15+s5+$0x0], $0xffff  }
0xd6: {  	[tilespmem:s25+$0xFFFFFF80] =	vst v7;
	v1 =	vadd.f32 v1, v0  }
0xd7: {  	v2 =	vadd.f32 v2, v0;
	[tilespmem:s25+$0x0] =	vst v8  }
0xd8: {  	v60 =	vadd.f32 v3, v0;
	[tilespmem:s25+$0x10] =	vst v1  }
0xd9: {  	p0 =	seq.s32 s23, $0x19;
	[tilespmem:s25+$0x20] =	vst v2;
	v61 =	vadd.f32 v4, v0  }
.Ltmp4:
0xda: {  	s29 =	sshll.u32 s24, $0x9;
	[tilespmem:s25+$0x30] =	vst v60;
	v62 =	vadd.f32 v5, v0;
	(pc) =	sbr.rel @p0 .LBB2_8-.Ltmp4, $4  }
0xdb: {  	s26 =	sand.u32 $0x7000, s26;
	s29 =	sand.u32 $0xFFF8000, s29;
	[tilespmem:s25+$0x40] =	vst v61;
	v63 =	vadd.f32 v6, v0  }
0xdc: {  	s28 =	sadd.s32 s4, s28;
	s26 =	sor.u32 s26, s29;
	[tilespmem:s25+$0x50] =	vst v62  }
0xdd: {  	s31 =	sadd.s32 s26, s28;
	[tilespmem:s25+$0x60] =	vst v63  }
0xde: {  	[hbm4b:s31+s12] =	stream.strided.scatter [tilespmem:s19], [sflag:$0x4], $0x1000, s13, s12, $0x38;
	[tilespmem:$0x1D700] =	vst v63  }
0xdf: {  	s24 =	sadd.s32 $0x2, s24  }
0xe0: {  	s25 =	sshrl.u32 s24, $0x6;
	s26 =	sshrl.u32 s24, $0x3  }
0xe1: {  	s25 =	smul.u32 $0x61C000, s25;
	s26 =	sand.u32 $0x7, s26  }
0xe2: {  	s26 =	smul.u32 $0xC3800, s26  }
0xe3: {  	s24 =	sshll.u32 s24, $0x7  }
.Ltmp5:
0xe4: {  	s24 =	sand.u32 $0x300, s24;
	s25 =	sadd.s32 s25, s26;
	(pc) =	sbr.rel .LBB2_2-.Ltmp5, $4  }
0xe5: {  	s24 =	sor.u32 s24, s25  }
0xe6: {  	s24 =	sshrl.u32 s24, $0x3  }
0xe7: {  	s23 =	sadd.s32 $0x1, s23;
	s24 =	sadd.s32 s1, s24  }
0xe8: {  	[tilespmem:s5], [sflag:$0x2] =	stream.strided.gather [hbm4b:s24+s12], $0x18700, s13, s12, $0x38;
	[tilespmem:$0x1D700] =	vst v63  }
.LBB2_9:
0xe9: {  	_ =	sfence.sel $0x180000  }
0xea: {  	[bflag:$0x0] =	sbarrier.arrive $0xFFFF  }
0xeb: {  	p0 =	sne.s32 s0, $0x0;
	_ =	strace $0x90000047  }
0xec: {  	s0 =	sadd.s32 @!p0 $0x100000, s3;
	[bflag:$0x2] =	sbarrier.arrive $0xFFFF  }
0xed: {  	[sflag:s0] =	ssyncadd.tile.s32 @!p0 $0x1;
	_ =	shalt  }
.Lfunc_end2:
_tile_overlayer_lowered:
.L_overlay_start_2:
0xee: {  	(tag) =	ssettag $0x2  }
0xef: {  	s0 =	rddreg [dreg:$0x0];
	s2 =	stileid.u32  }
0xf0: {  	s1 =	rddreg [dreg:$0x1];
	p0 =	sne.s32 s2, $0x0  }
0xf1: {  	s3 =	rddreg [dreg:$0x2];
	[bflag:$0x3] =	sbarrier.arrive $0xFFFF;
	s2 =	simm.s32 @!p0 $0x1C05  }
0xf2: {  	[timem:s3], [sflag:s2] =	dma.local @!p0 [hbm:s0], s1  }
0xf3: {  	s0 =	simm.s32 @!p0 $0x5  }
0xf4: {  	_ =	swait.ge @!p0 [sflag:s0], s1  }
0xf5: {  	s1 =	ssub.s32 @!p0 $0x0, s1;
	[sflag:s0] =	ssyncset.done @!p0 $0x0  }
0xf6: {  	[sflag:s0] =	ssyncadd.s32 @!p0 s1  }
0xf7: {  	[bflag:$0x3] =	sbarrier.arrive $0xFFFF  }
0xf8: {  	_ =	shalt  }

</sc_bundles>
